<compile_context>
chip_gen: v7x
topology: tpu7x:2x2x1
jax: 0.10.2.dev20260603
libtpu: 0.0.44.dev20260713+nightly
codegen_flags: <defaults>
</compile_context>

<pallas_src>
import functools

import jax
import jax.numpy as jnp
from jax import lax
from jax.experimental import pallas as pl
from jax.experimental.pallas import tpu as pltpu
from jax.experimental.pallas import tpu_sc as plsc

CHUNK = 128
HALF = CHUNK // 2


@functools.lru_cache(maxsize=None)
def _build_gather(B, DT, V2):
    info = plsc.get_sparse_core_info()
    NC, NS = info.num_cores, info.num_subcores
    NW = NC * NS
    per_w = B // NW
    assert per_w * NW == B and per_w % CHUNK == 0
    k = per_w // CHUNK
    assert k % 2 == 0
    m = k // 2 - 1

    mesh = plsc.VectorSubcoreMesh(core_axis_name="c", subcore_axis_name="s")

    @functools.partial(
        pl.kernel,
        mesh=mesh,
        out_type=jax.ShapeDtypeStruct((B // 2, 2 * DT), jnp.float32),
        scratch_types=[
            pltpu.VMEM((k, 2, HALF), jnp.int32),
            pltpu.VMEM((2, HALF, DT), jnp.float32),
            pltpu.VMEM((2, HALF, DT), jnp.float32),
            pltpu.SemaphoreType.DMA,
            pltpu.SemaphoreType.DMA,
            pltpu.SemaphoreType.DMA,
            pltpu.SemaphoreType.DMA,
        ],
        compiler_params=pltpu.CompilerParams(use_tc_tiling_on_sc=False),
    )
    def sc_kernel(idx_hbm, table_hbm, g_hbm, idx_v, buf0, buf1, si0, si1, so0, so1):
        wid = lax.axis_index("s") * NC + lax.axis_index("c")
        base = wid * per_w // 2
        pltpu.sync_copy(idx_hbm.at[wid], idx_v)

        def start_in(j, buf, sem):
            pltpu.async_copy(table_hbm.at[idx_v.at[j, 0]], buf.at[0], sem)
            pltpu.async_copy(table_hbm.at[idx_v.at[j, 1]], buf.at[1], sem)

        def start_out(j, buf, sem):
            rows = pl.ds(base + j * HALF, HALF)
            pltpu.async_copy(buf.at[0], g_hbm.at[rows, pl.ds(0, DT)], sem)
            pltpu.async_copy(buf.at[1], g_hbm.at[rows, pl.ds(DT, DT)], sem)

        def wait_in(sem, buf):
            for h in (0, 1):
                pltpu.make_async_copy(
                    table_hbm.at[idx_v.at[0, 0]], buf.at[h], sem
                ).wait()

        def wait_out(sem, buf):
            for h in (0, 1):
                pltpu.make_async_copy(
                    buf.at[h], g_hbm.at[pl.ds(base, HALF), pl.ds(0, DT)], sem
                ).wait()

        start_in(0, buf0, si0)
        start_in(1, buf1, si1)

        def body(i, _):
            j = 2 * i
            wait_in(si0, buf0)
            start_out(j, buf0, so0)
            wait_in(si1, buf1)
            start_out(j + 1, buf1, so1)
            wait_out(so0, buf0)
            start_in(j + 2, buf0, si0)
            wait_out(so1, buf1)
            start_in(j + 3, buf1, si1)
            return ()

        lax.fori_loop(0, m, body, (), unroll=False)

        wait_in(si0, buf0)
        start_out(k - 2, buf0, so0)
        wait_in(si1, buf1)
        start_out(k - 1, buf1, so1)
        wait_out(so0, buf0)
        wait_out(so1, buf1)

    return sc_kernel, NW, k


@functools.lru_cache(maxsize=None)
def _build_concat(S0, S1, DE, DT, BS, S1B):
    DO = DE + DT

    def concat_body(elmo_ref, g_ref, out_ref):
        e = elmo_ref[...]
        et = jnp.transpose(e, (0, 2, 1))
        g = g_ref[...]
        gt = jnp.transpose(g, (0, 2, 1))
        gt = gt.reshape(S1B, DT, BS)
        out_ref[...] = jnp.concatenate((et, gt), axis=1)

    return pl.pallas_call(
        concat_body,
        grid=(S0 // BS, S1 // S1B),
        in_specs=[
            pl.BlockSpec((S1B, BS, DE), lambda i, j: (j, i, 0)),
            pl.BlockSpec((S1B // 2, BS, 2 * DT), lambda i, j: (j, i, 0)),
        ],
        out_specs=pl.BlockSpec((S1B, DO, BS), lambda i, j: (j, 0, i)),
        out_shape=jax.ShapeDtypeStruct((S1, DO, S0), jnp.float32),
    )


@functools.lru_cache(maxsize=None)
def _build_detile(V, DT, BC):
    import math

    R = BC // 2
    grid = math.ceil(V / BC)

    def detile_body(t_ref, out_ref):
        a = t_ref[...]
        at = jnp.transpose(a, (1, 0))
        out_ref[...] = jnp.concatenate((at[:R], at[R:]), axis=1)

    return pl.pallas_call(
        detile_body,
        grid=(grid,),
        in_specs=[pl.BlockSpec((DT, BC), lambda i: (0, i))],
        out_specs=pl.BlockSpec((R, 2 * DT), lambda i: (i, 0)),
        out_shape=jax.ShapeDtypeStruct((grid * R, 2 * DT), jnp.float32),
    )


def kernel(elmo_emb, inp, table):
    S0, S1, DE = elmo_emb.shape
    V, DT = table.shape
    B = S0 * S1
    sc_gather, NW, k = _build_gather(B, DT, V)
    BC = 2048
    detile = _build_detile(V, DT, BC)
    tl = detile(table.transpose(1, 0))
    table_lin = tl.reshape(tl.shape[0] * 2, DT)
    ii = inp.astype(jnp.int32)
    loc = ii & (BC - 1)
    perm = (ii & ~(BC - 1)) + jnp.where(
        loc < BC // 2, loc << 1, ((loc - BC // 2) << 1) + 1
    )
    ip = perm.transpose(1, 0).reshape(S1 // 2, 2, S0)
    ev = ip[:, 0, :].reshape(NW, k, HALF)
    od = ip[:, 1, :].reshape(NW, k, HALF)
    idx = jnp.stack((ev, od), axis=2)
    g = sc_gather(idx, table_lin)
    g3 = g.reshape(S1 // 2, S0, 2 * DT)
    concat = _build_concat(S0, S1, DE, DT, 128, 10)
    elmo_t = elmo_emb.transpose(1, 0, 2)
    out_t = concat(elmo_t, g3)
    return out_t.transpose(2, 0, 1)

# --- scband reference (transcript-rebuilt; emitter-appended) ---
"""Pipeline reference for scband-embedding-31799937860220 (READ-ONLY COPY).

The authoritative reference and input builder live on the scoring server;
editing this copy changes nothing except your own understanding.
"""

import jax, jax.numpy as jnp
import numpy as np

VOCAB = 1000000
EMB_DIM = 64

def setup_inputs(seed: int = 0) -> dict:
    key = jax.random.key(seed)
    k1, k2, k3 = jax.random.split(key, 3)
    elmo_emb = jax.random.normal(k1, (4096, 50, 256), dtype=jnp.float32)
    inp = jax.random.randint(k2, (4096, 50), 0, VOCAB, dtype=jnp.int64 if jax.config.read('jax_enable_x64') else jnp.int32)
    table = jax.random.normal(k3, (VOCAB, EMB_DIM), dtype=jnp.float32) * 0.02
    return {"elmo_emb": elmo_emb, "inp": inp, "table": table}

def reference(elmo_emb, inp, table):
    # x2 = nn.Embedding lookup
    x2 = jnp.take(table, inp, axis=0)
    # concat along last dim
    x = jnp.concatenate((elmo_emb, x2), axis=-1)
    return x

if __name__ == "__main__":
    import jax
    _d = setup_inputs()
    print(jax.jit(kernel)(*tuple(_d.values())))

</pallas_src>

<mosaic_0001>
#map = affine_map<(d0, d1) -> (0, 0, 0, 0)>
#map1 = affine_map<(d0, d1) -> (0, 0)>
module attributes {stable_mosaic.version = 14 : i64} {
  func.func @sc_kernel(%arg0: i32, %arg1: i32, %arg2: memref<32x50x2x64xi32, #tpu.memory_space<hbm>>, %arg3: memref<1001472x64xf32, #tpu.memory_space<hbm>>, %arg4: memref<102400x128xf32, #tpu.memory_space<hbm>>, %arg5: memref<50x2x64xi32, #tpu.memory_space<vmem>>, %arg6: memref<2x64x64xf32, #tpu.memory_space<vmem>>, %arg7: memref<2x64x64xf32, #tpu.memory_space<vmem>>, %arg8: memref<!tpu.dma_semaphore, #tpu.memory_space<semaphore_mem>>, %arg9: memref<!tpu.dma_semaphore, #tpu.memory_space<semaphore_mem>>, %arg10: memref<!tpu.dma_semaphore, #tpu.memory_space<semaphore_mem>>, %arg11: memref<!tpu.dma_semaphore, #tpu.memory_space<semaphore_mem>>) attributes {dimension_semantics = [#tpu.dimension_semantics<core_parallel>, #tpu.dimension_semantics<subcore_parallel>], iteration_bounds = array<i64: 2, 16>, scalar_prefetch = 0 : i64, scratch_operands = 7 : i64, tpu.core_type = #tpu.core_type<sc_vector_subcore>, window_params = [{transform_indices = #map}, {transform_indices = #map1}, {transform_indices = #map1}]} {
    %mul3A = arith.constant 2 : i32
    %mul3A_0 = arith.muli %arg1, %mul3A : i32
    %add3A = arith.addi %mul3A_0, %arg0 : i32
    %mul3A_1 = arith.constant 6400 : i32
    %mul3A_2 = arith.muli %add3A, %mul3A_1 : i32
    %jit3A = arith.constant 2 : i32
    %div3A = arith.divsi %mul3A_2, %jit3A : i32
    %sign3A = arith.constant 0 : i32
    %sign3A_3 = arith.cmpi sgt, %mul3A_2, %sign3A : i32
    %sign3A_4 = arith.extui %sign3A_3 : i1 to i32
    %sign3A_5 = arith.constant 0 : i32
    %sign3A_6 = arith.cmpi slt, %mul3A_2, %sign3A_5 : i32
    %sign3A_7 = arith.extui %sign3A_6 : i1 to i32
    %sign3A_8 = arith.subi %sign3A_4, %sign3A_7 : i32
    %sign3A_9 = arith.constant 0 : i32
    %sign3A_10 = arith.cmpi sgt, %jit3A, %sign3A_9 : i32
    %sign3A_11 = arith.extui %sign3A_10 : i1 to i32
    %sign3A_12 = arith.constant 0 : i32
    %sign3A_13 = arith.cmpi slt, %jit3A, %sign3A_12 : i32
    %sign3A_14 = arith.extui %sign3A_13 : i1 to i32
    %sign3A_15 = arith.subi %sign3A_11, %sign3A_14 : i32
    %ne3A = arith.cmpi ne, %sign3A_8, %sign3A_15 : i32
    %rem3A = arith.remsi %mul3A_2, %jit3A : i32
    %ne3A_16 = arith.constant 0 : i32
    %ne3A_17 = arith.cmpi ne, %rem3A, %ne3A_16 : i32
    %and3A = arith.andi %ne3A, %ne3A_17 : i1
    %sub3A = arith.constant 1 : i32
    %sub3A_18 = arith.subi %div3A, %sub3A : i32
    %select_n3A = arith.select %and3A, %sub3A_18, %div3A : i32
    "tpu.region"() ({
      %run_scoped3A = tpu.sem_alloc : memref<!tpu.dma_semaphore, #tpu.memory_space<semaphore_mem>>
      %dma_start3A_233 = arith.constant 0 : i32
      %dma_start3A_234 = arith.constant 0 : i32
      %dma_start3A_235 = arith.constant 0 : i32
      %dma_start3A_236 = tpu.memref_slice %arg2[%add3A, %dma_start3A_233, %dma_start3A_234, %dma_start3A_235] : memref<32x50x2x64xi32, #tpu.memory_space<hbm>> -> memref<1x50x2x64xi32, #tpu.memory_space<hbm>>
      %dma_start3A_237 = tpu.memref_squeeze %dma_start3A_236 : memref<1x50x2x64xi32, #tpu.memory_space<hbm>> -> memref<50x2x64xi32, #tpu.memory_space<hbm>>
      %dma_start3A_238 = arith.constant 0 : i32
      %dma_start3A_239 = arith.constant 0 : i32
      %dma_start3A_240 = arith.constant 0 : i32
      %dma_start3A_241 = tpu.memref_slice %arg2[%add3A, %dma_start3A_238, %dma_start3A_239, %dma_start3A_240] : memref<32x50x2x64xi32, #tpu.memory_space<hbm>> -> memref<1x50x2x64xi32, #tpu.memory_space<hbm>>
      %dma_start3A_242 = tpu.memref_squeeze %dma_start3A_241 : memref<1x50x2x64xi32, #tpu.memory_space<hbm>> -> memref<50x2x64xi32, #tpu.memory_space<hbm>>
      tpu.enqueue_dma source(%dma_start3A_242 : memref<50x2x64xi32, #tpu.memory_space<hbm>>) target(%arg5 : memref<50x2x64xi32, #tpu.memory_space<vmem>>) target_semaphore(%run_scoped3A : memref<!tpu.dma_semaphore, #tpu.memory_space<semaphore_mem>>)
      %dma_wait3A_243 = arith.constant 0 : i32
      %dma_wait3A_244 = arith.constant 0 : i32
      %dma_wait3A_245 = arith.constant 0 : i32
      %dma_wait3A_246 = tpu.memref_slice %arg2[%add3A, %dma_wait3A_243, %dma_wait3A_244, %dma_wait3A_245] : memref<32x50x2x64xi32, #tpu.memory_space<hbm>> -> memref<1x50x2x64xi32, #tpu.memory_space<hbm>>
      %dma_wait3A_247 = tpu.memref_squeeze %dma_wait3A_246 : memref<1x50x2x64xi32, #tpu.memory_space<hbm>> -> memref<50x2x64xi32, #tpu.memory_space<hbm>>
      %dma_wait3A_248 = arith.constant 0 : i32
      %dma_wait3A_249 = arith.constant 0 : i32
      %dma_wait3A_250 = arith.constant 0 : i32
      %dma_wait3A_251 = tpu.memref_slice %arg2[%add3A, %dma_wait3A_248, %dma_wait3A_249, %dma_wait3A_250] : memref<32x50x2x64xi32, #tpu.memory_space<hbm>> -> memref<1x50x2x64xi32, #tpu.memory_space<hbm>>
      %dma_wait3A_252 = tpu.memref_squeeze %dma_wait3A_251 : memref<1x50x2x64xi32, #tpu.memory_space<hbm>> -> memref<50x2x64xi32, #tpu.memory_space<hbm>>
      tpu.wait_dma2 semaphore(%run_scoped3A : memref<!tpu.dma_semaphore, #tpu.memory_space<semaphore_mem>>) src(%dma_wait3A_252 : memref<50x2x64xi32, #tpu.memory_space<hbm>>) dst(%arg5 : memref<50x2x64xi32, #tpu.memory_space<vmem>>)
      tpu.yield
    }) : () -> ()
    %dma_start3A = arith.constant 0 : i32
    %dma_start3A_19 = arith.constant 0 : i32
    %dma_start3A_20 = arith.constant 0 : i32
    %dma_start3A_21 = arith.constant 0 : i32
    %dma_start3A_22 = arith.constant 0 : i32
    %dma_start3A_23 = tpu.memref_slice %arg6[%dma_start3A_20, %dma_start3A_21, %dma_start3A_22] : memref<2x64x64xf32, #tpu.memory_space<vmem>> -> memref<1x64x64xf32, #tpu.memory_space<vmem>>
    %dma_start3A_24 = tpu.memref_squeeze %dma_start3A_23 : memref<1x64x64xf32, #tpu.memory_space<vmem>> -> memref<64x64xf32, #tpu.memory_space<vmem>>
    %dma_start3A_25 = arith.constant 0 : i32
    %dma_start3A_26 = tpu.memref_slice %arg5[%dma_start3A, %dma_start3A_19, %dma_start3A_25] : memref<50x2x64xi32, #tpu.memory_space<vmem>> -> memref<1x1x64xi32, #tpu.memory_space<vmem>>
    %dma_start3A_27 = tpu.memref_squeeze %dma_start3A_26 : memref<1x1x64xi32, #tpu.memory_space<vmem>> -> memref<64xi32, #tpu.memory_space<vmem>>
    %dma_start3A_28 = arith.constant 0 : i32
    %dma_start3A_29 = arith.constant 0 : i32
    %dma_start3A_30 = tpu.memref_slice %arg3[%dma_start3A_28, %dma_start3A_29] : memref<1001472x64xf32, #tpu.memory_space<hbm>> -> memref<1001472x64xf32, #tpu.memory_space<hbm>>
    tpu.enqueue_indirect_dma source(%dma_start3A_30 : memref<1001472x64xf32, #tpu.memory_space<hbm>>) target(%dma_start3A_24 : memref<64x64xf32, #tpu.memory_space<vmem>>) offsets(%dma_start3A_27 : memref<64xi32, #tpu.memory_space<vmem>>) semaphore(%arg8 : memref<!tpu.dma_semaphore, #tpu.memory_space<semaphore_mem>>)
    %dma_start3A_31 = arith.constant 0 : i32
    %dma_start3A_32 = arith.constant 1 : i32
    %dma_start3A_33 = arith.constant 1 : i32
    %dma_start3A_34 = arith.constant 0 : i32
    %dma_start3A_35 = arith.constant 0 : i32
    %dma_start3A_36 = tpu.memref_slice %arg6[%dma_start3A_33, %dma_start3A_34, %dma_start3A_35] : memref<2x64x64xf32, #tpu.memory_space<vmem>> -> memref<1x64x64xf32, #tpu.memory_space<vmem>>
    %dma_start3A_37 = tpu.memref_squeeze %dma_start3A_36 : memref<1x64x64xf32, #tpu.memory_space<vmem>> -> memref<64x64xf32, #tpu.memory_space<vmem>>
    %dma_start3A_38 = arith.constant 0 : i32
    %dma_start3A_39 = tpu.memref_slice %arg5[%dma_start3A_31, %dma_start3A_32, %dma_start3A_38] : memref<50x2x64xi32, #tpu.memory_space<vmem>> -> memref<1x1x64xi32, #tpu.memory_space<vmem>>
    %dma_start3A_40 = tpu.memref_squeeze %dma_start3A_39 : memref<1x1x64xi32, #tpu.memory_space<vmem>> -> memref<64xi32, #tpu.memory_space<vmem>>
    %dma_start3A_41 = arith.constant 0 : i32
    %dma_start3A_42 = arith.constant 0 : i32
    %dma_start3A_43 = tpu.memref_slice %arg3[%dma_start3A_41, %dma_start3A_42] : memref<1001472x64xf32, #tpu.memory_space<hbm>> -> memref<1001472x64xf32, #tpu.memory_space<hbm>>
    tpu.enqueue_indirect_dma source(%dma_start3A_43 : memref<1001472x64xf32, #tpu.memory_space<hbm>>) target(%dma_start3A_37 : memref<64x64xf32, #tpu.memory_space<vmem>>) offsets(%dma_start3A_40 : memref<64xi32, #tpu.memory_space<vmem>>) semaphore(%arg8 : memref<!tpu.dma_semaphore, #tpu.memory_space<semaphore_mem>>)
    %dma_start3A_44 = arith.constant 1 : i32
    %dma_start3A_45 = arith.constant 0 : i32
    %dma_start3A_46 = arith.constant 0 : i32
    %dma_start3A_47 = arith.constant 0 : i32
    %dma_start3A_48 = arith.constant 0 : i32
    %dma_start3A_49 = tpu.memref_slice %arg7[%dma_start3A_46, %dma_start3A_47, %dma_start3A_48] : memref<2x64x64xf32, #tpu.memory_space<vmem>> -> memref<1x64x64xf32, #tpu.memory_space<vmem>>
    %dma_start3A_50 = tpu.memref_squeeze %dma_start3A_49 : memref<1x64x64xf32, #tpu.memory_space<vmem>> -> memref<64x64xf32, #tpu.memory_space<vmem>>
    %dma_start3A_51 = arith.constant 0 : i32
    %dma_start3A_52 = tpu.memref_slice %arg5[%dma_start3A_44, %dma_start3A_45, %dma_start3A_51] : memref<50x2x64xi32, #tpu.memory_space<vmem>> -> memref<1x1x64xi32, #tpu.memory_space<vmem>>
    %dma_start3A_53 = tpu.memref_squeeze %dma_start3A_52 : memref<1x1x64xi32, #tpu.memory_space<vmem>> -> memref<64xi32, #tpu.memory_space<vmem>>
    %dma_start3A_54 = arith.constant 0 : i32
    %dma_start3A_55 = arith.constant 0 : i32
    %dma_start3A_56 = tpu.memref_slice %arg3[%dma_start3A_54, %dma_start3A_55] : memref<1001472x64xf32, #tpu.memory_space<hbm>> -> memref<1001472x64xf32, #tpu.memory_space<hbm>>
    tpu.enqueue_indirect_dma source(%dma_start3A_56 : memref<1001472x64xf32, #tpu.memory_space<hbm>>) target(%dma_start3A_50 : memref<64x64xf32, #tpu.memory_space<vmem>>) offsets(%dma_start3A_53 : memref<64xi32, #tpu.memory_space<vmem>>) semaphore(%arg9 : memref<!tpu.dma_semaphore, #tpu.memory_space<semaphore_mem>>)
    %dma_start3A_57 = arith.constant 1 : i32
    %dma_start3A_58 = arith.constant 1 : i32
    %dma_start3A_59 = arith.constant 1 : i32
    %dma_start3A_60 = arith.constant 0 : i32
    %dma_start3A_61 = arith.constant 0 : i32
    %dma_start3A_62 = tpu.memref_slice %arg7[%dma_start3A_59, %dma_start3A_60, %dma_start3A_61] : memref<2x64x64xf32, #tpu.memory_space<vmem>> -> memref<1x64x64xf32, #tpu.memory_space<vmem>>
    %dma_start3A_63 = tpu.memref_squeeze %dma_start3A_62 : memref<1x64x64xf32, #tpu.memory_space<vmem>> -> memref<64x64xf32, #tpu.memory_space<vmem>>
    %dma_start3A_64 = arith.constant 0 : i32
    %dma_start3A_65 = tpu.memref_slice %arg5[%dma_start3A_57, %dma_start3A_58, %dma_start3A_64] : memref<50x2x64xi32, #tpu.memory_space<vmem>> -> memref<1x1x64xi32, #tpu.memory_space<vmem>>
    %dma_start3A_66 = tpu.memref_squeeze %dma_start3A_65 : memref<1x1x64xi32, #tpu.memory_space<vmem>> -> memref<64xi32, #tpu.memory_space<vmem>>
    %dma_start3A_67 = arith.constant 0 : i32
    %dma_start3A_68 = arith.constant 0 : i32
    %dma_start3A_69 = tpu.memref_slice %arg3[%dma_start3A_67, %dma_start3A_68] : memref<1001472x64xf32, #tpu.memory_space<hbm>> -> memref<1001472x64xf32, #tpu.memory_space<hbm>>
    tpu.enqueue_indirect_dma source(%dma_start3A_69 : memref<1001472x64xf32, #tpu.memory_space<hbm>>) target(%dma_start3A_63 : memref<64x64xf32, #tpu.memory_space<vmem>>) offsets(%dma_start3A_66 : memref<64xi32, #tpu.memory_space<vmem>>) semaphore(%arg9 : memref<!tpu.dma_semaphore, #tpu.memory_space<semaphore_mem>>)
    %scan3A = arith.constant 0 : i32
    %scan3A_70 = arith.constant 24 : i32
    %scan3A_71 = arith.addi %scan3A, %scan3A_70 : i32
    %scan3A_72 = arith.constant 1 : i32
    scf.for %scan3A_233 = %scan3A to %scan3A_71 step %scan3A_72  : i32 {
      %mul3A_234 = arith.constant 2 : i32
      %mul3A_235 = arith.muli %mul3A_234, %scan3A_233 : i32
      %dma_wait3A_236 = arith.constant 0 : i32
      %dma_wait3A_237 = arith.constant 0 : i32
      %dma_wait3A_238 = arith.constant 0 : i32
      %dma_wait3A_239 = arith.constant 0 : i32
      %dma_wait3A_240 = arith.constant 0 : i32
      %dma_wait3A_241 = tpu.memref_slice %arg6[%dma_wait3A_238, %dma_wait3A_239, %dma_wait3A_240] : memref<2x64x64xf32, #tpu.memory_space<vmem>> -> memref<1x64x64xf32, #tpu.memory_space<vmem>>
      %dma_wait3A_242 = tpu.memref_squeeze %dma_wait3A_241 : memref<1x64x64xf32, #tpu.memory_space<vmem>> -> memref<64x64xf32, #tpu.memory_space<vmem>>
      %dma_wait3A_243 = arith.constant 0 : i32
      %dma_wait3A_244 = tpu.memref_slice %arg5[%dma_wait3A_236, %dma_wait3A_237, %dma_wait3A_243] : memref<50x2x64xi32, #tpu.memory_space<vmem>> -> memref<1x1x64xi32, #tpu.memory_space<vmem>>
      %dma_wait3A_245 = tpu.memref_squeeze %dma_wait3A_244 : memref<1x1x64xi32, #tpu.memory_space<vmem>> -> memref<64xi32, #tpu.memory_space<vmem>>
      %dma_wait3A_246 = arith.constant 0 : i32
      %dma_wait3A_247 = arith.constant 0 : i32
      %dma_wait3A_248 = tpu.memref_slice %arg3[%dma_wait3A_246, %dma_wait3A_247] : memref<1001472x64xf32, #tpu.memory_space<hbm>> -> memref<1001472x64xf32, #tpu.memory_space<hbm>>
      tpu.wait_indirect_dma semaphore(%arg8 : memref<!tpu.dma_semaphore, #tpu.memory_space<semaphore_mem>>) src(%dma_wait3A_248 : memref<1001472x64xf32, #tpu.memory_space<hbm>>) dst(%dma_wait3A_242 : memref<64x64xf32, #tpu.memory_space<vmem>>)
      %dma_wait3A_249 = arith.constant 0 : i32
      %dma_wait3A_250 = arith.constant 0 : i32
      %dma_wait3A_251 = arith.constant 1 : i32
      %dma_wait3A_252 = arith.constant 0 : i32
      %dma_wait3A_253 = arith.constant 0 : i32
      %dma_wait3A_254 = tpu.memref_slice %arg6[%dma_wait3A_251, %dma_wait3A_252, %dma_wait3A_253] : memref<2x64x64xf32, #tpu.memory_space<vmem>> -> memref<1x64x64xf32, #tpu.memory_space<vmem>>
      %dma_wait3A_255 = tpu.memref_squeeze %dma_wait3A_254 : memref<1x64x64xf32, #tpu.memory_space<vmem>> -> memref<64x64xf32, #tpu.memory_space<vmem>>
      %dma_wait3A_256 = arith.constant 0 : i32
      %dma_wait3A_257 = tpu.memref_slice %arg5[%dma_wait3A_249, %dma_wait3A_250, %dma_wait3A_256] : memref<50x2x64xi32, #tpu.memory_space<vmem>> -> memref<1x1x64xi32, #tpu.memory_space<vmem>>
      %dma_wait3A_258 = tpu.memref_squeeze %dma_wait3A_257 : memref<1x1x64xi32, #tpu.memory_space<vmem>> -> memref<64xi32, #tpu.memory_space<vmem>>
      %dma_wait3A_259 = arith.constant 0 : i32
      %dma_wait3A_260 = arith.constant 0 : i32
      %dma_wait3A_261 = tpu.memref_slice %arg3[%dma_wait3A_259, %dma_wait3A_260] : memref<1001472x64xf32, #tpu.memory_space<hbm>> -> memref<1001472x64xf32, #tpu.memory_space<hbm>>
      tpu.wait_indirect_dma semaphore(%arg8 : memref<!tpu.dma_semaphore, #tpu.memory_space<semaphore_mem>>) src(%dma_wait3A_261 : memref<1001472x64xf32, #tpu.memory_space<hbm>>) dst(%dma_wait3A_255 : memref<64x64xf32, #tpu.memory_space<vmem>>)
      %mul3A_262 = arith.constant 64 : i32
      %mul3A_263 = arith.muli %mul3A_235, %mul3A_262 : i32
      %add3A_264 = arith.addi %select_n3A, %mul3A_263 : i32
      %dma_start3A_265 = arith.constant 0 : i32
      %dma_start3A_266 = arith.constant 0 : i32
      %dma_start3A_267 = arith.constant 0 : i32
      %dma_start3A_268 = tpu.memref_slice %arg6[%dma_start3A_265, %dma_start3A_266, %dma_start3A_267] : memref<2x64x64xf32, #tpu.memory_space<vmem>> -> memref<1x64x64xf32, #tpu.memory_space<vmem>>
      %dma_start3A_269 = tpu.memref_squeeze %dma_start3A_268 : memref<1x64x64xf32, #tpu.memory_space<vmem>> -> memref<64x64xf32, #tpu.memory_space<vmem>>
      %dma_start3A_270 = arith.constant 0 : i32
      %dma_start3A_271 = tpu.memref_slice %arg4[%add3A_264, %dma_start3A_270] : memref<102400x128xf32, #tpu.memory_space<hbm>> -> memref<64x64xf32, #tpu.memory_space<hbm>>
      %dma_start3A_272 = arith.constant 0 : i32
      %dma_start3A_273 = tpu.memref_slice %arg4[%add3A_264, %dma_start3A_272] : memref<102400x128xf32, #tpu.memory_space<hbm>> -> memref<64x64xf32, #tpu.memory_space<hbm>>
      %dma_start3A_274 = arith.constant 0 : i32
      %dma_start3A_275 = arith.constant 0 : i32
      %dma_start3A_276 = tpu.memref_slice %arg6[%dma_start3A_265, %dma_start3A_274, %dma_start3A_275] : memref<2x64x64xf32, #tpu.memory_space<vmem>> -> memref<1x64x64xf32, #tpu.memory_space<vmem>>
      %dma_start3A_277 = tpu.memref_squeeze %dma_start3A_276 : memref<1x64x64xf32, #tpu.memory_space<vmem>> -> memref<64x64xf32, #tpu.memory_space<vmem>>
      tpu.enqueue_dma source(%dma_start3A_277 : memref<64x64xf32, #tpu.memory_space<vmem>>) target(%dma_start3A_273 : memref<64x64xf32, #tpu.memory_space<hbm>>) target_semaphore(%arg10 : memref<!tpu.dma_semaphore, #tpu.memory_space<semaphore_mem>>)
      %dma_start3A_278 = arith.constant 1 : i32
      %dma_start3A_279 = arith.constant 0 : i32
      %dma_start3A_280 = arith.constant 0 : i32
      %dma_start3A_281 = tpu.memref_slice %arg6[%dma_start3A_278, %dma_start3A_279, %dma_start3A_280] : memref<2x64x64xf32, #tpu.memory_space<vmem>> -> memref<1x64x64xf32, #tpu.memory_space<vmem>>
      %dma_start3A_282 = tpu.memref_squeeze %dma_start3A_281 : memref<1x64x64xf32, #tpu.memory_space<vmem>> -> memref<64x64xf32, #tpu.memory_space<vmem>>
      %dma_start3A_283 = arith.constant 64 : i32
      %dma_start3A_284 = tpu.memref_slice %arg4[%add3A_264, %dma_start3A_283] : memref<102400x128xf32, #tpu.memory_space<hbm>> -> memref<64x64xf32, #tpu.memory_space<hbm>>
      %dma_start3A_285 = arith.constant 64 : i32
      %dma_start3A_286 = tpu.memref_slice %arg4[%add3A_264, %dma_start3A_285] : memref<102400x128xf32, #tpu.memory_space<hbm>> -> memref<64x64xf32, #tpu.memory_space<hbm>>
      %dma_start3A_287 = arith.constant 0 : i32
      %dma_start3A_288 = arith.constant 0 : i32
      %dma_start3A_289 = tpu.memref_slice %arg6[%dma_start3A_278, %dma_start3A_287, %dma_start3A_288] : memref<2x64x64xf32, #tpu.memory_space<vmem>> -> memref<1x64x64xf32, #tpu.memory_space<vmem>>
      %dma_start3A_290 = tpu.memref_squeeze %dma_start3A_289 : memref<1x64x64xf32, #tpu.memory_space<vmem>> -> memref<64x64xf32, #tpu.memory_space<vmem>>
      tpu.enqueue_dma source(%dma_start3A_290 : memref<64x64xf32, #tpu.memory_space<vmem>>) target(%dma_start3A_286 : memref<64x64xf32, #tpu.memory_space<hbm>>) target_semaphore(%arg10 : memref<!tpu.dma_semaphore, #tpu.memory_space<semaphore_mem>>)
      %dma_wait3A_291 = arith.constant 0 : i32
      %dma_wait3A_292 = arith.constant 0 : i32
      %dma_wait3A_293 = arith.constant 0 : i32
      %dma_wait3A_294 = arith.constant 0 : i32
      %dma_wait3A_295 = arith.constant 0 : i32
      %dma_wait3A_296 = tpu.memref_slice %arg7[%dma_wait3A_293, %dma_wait3A_294, %dma_wait3A_295] : memref<2x64x64xf32, #tpu.memory_space<vmem>> -> memref<1x64x64xf32, #tpu.memory_space<vmem>>
      %dma_wait3A_297 = tpu.memref_squeeze %dma_wait3A_296 : memref<1x64x64xf32, #tpu.memory_space<vmem>> -> memref<64x64xf32, #tpu.memory_space<vmem>>
      %dma_wait3A_298 = arith.constant 0 : i32
      %dma_wait3A_299 = tpu.memref_slice %arg5[%dma_wait3A_291, %dma_wait3A_292, %dma_wait3A_298] : memref<50x2x64xi32, #tpu.memory_space<vmem>> -> memref<1x1x64xi32, #tpu.memory_space<vmem>>
      %dma_wait3A_300 = tpu.memref_squeeze %dma_wait3A_299 : memref<1x1x64xi32, #tpu.memory_space<vmem>> -> memref<64xi32, #tpu.memory_space<vmem>>
      %dma_wait3A_301 = arith.constant 0 : i32
      %dma_wait3A_302 = arith.constant 0 : i32
      %dma_wait3A_303 = tpu.memref_slice %arg3[%dma_wait3A_301, %dma_wait3A_302] : memref<1001472x64xf32, #tpu.memory_space<hbm>> -> memref<1001472x64xf32, #tpu.memory_space<hbm>>
      tpu.wait_indirect_dma semaphore(%arg9 : memref<!tpu.dma_semaphore, #tpu.memory_space<semaphore_mem>>) src(%dma_wait3A_303 : memref<1001472x64xf32, #tpu.memory_space<hbm>>) dst(%dma_wait3A_297 : memref<64x64xf32, #tpu.memory_space<vmem>>)
      %dma_wait3A_304 = arith.constant 0 : i32
      %dma_wait3A_305 = arith.constant 0 : i32
      %dma_wait3A_306 = arith.constant 1 : i32
      %dma_wait3A_307 = arith.constant 0 : i32
      %dma_wait3A_308 = arith.constant 0 : i32
      %dma_wait3A_309 = tpu.memref_slice %arg7[%dma_wait3A_306, %dma_wait3A_307, %dma_wait3A_308] : memref<2x64x64xf32, #tpu.memory_space<vmem>> -> memref<1x64x64xf32, #tpu.memory_space<vmem>>
      %dma_wait3A_310 = tpu.memref_squeeze %dma_wait3A_309 : memref<1x64x64xf32, #tpu.memory_space<vmem>> -> memref<64x64xf32, #tpu.memory_space<vmem>>
      %dma_wait3A_311 = arith.constant 0 : i32
      %dma_wait3A_312 = tpu.memref_slice %arg5[%dma_wait3A_304, %dma_wait3A_305, %dma_wait3A_311] : memref<50x2x64xi32, #tpu.memory_space<vmem>> -> memref<1x1x64xi32, #tpu.memory_space<vmem>>
      %dma_wait3A_313 = tpu.memref_squeeze %dma_wait3A_312 : memref<1x1x64xi32, #tpu.memory_space<vmem>> -> memref<64xi32, #tpu.memory_space<vmem>>
      %dma_wait3A_314 = arith.constant 0 : i32
      %dma_wait3A_315 = arith.constant 0 : i32
      %dma_wait3A_316 = tpu.memref_slice %arg3[%dma_wait3A_314, %dma_wait3A_315] : memref<1001472x64xf32, #tpu.memory_space<hbm>> -> memref<1001472x64xf32, #tpu.memory_space<hbm>>
      tpu.wait_indirect_dma semaphore(%arg9 : memref<!tpu.dma_semaphore, #tpu.memory_space<semaphore_mem>>) src(%dma_wait3A_316 : memref<1001472x64xf32, #tpu.memory_space<hbm>>) dst(%dma_wait3A_310 : memref<64x64xf32, #tpu.memory_space<vmem>>)
      %add3A_317 = arith.constant 1 : i32
      %add3A_318 = arith.addi %mul3A_235, %add3A_317 : i32
      %mul3A_319 = arith.constant 64 : i32
      %mul3A_320 = arith.muli %add3A_318, %mul3A_319 : i32
      %add3A_321 = arith.addi %select_n3A, %mul3A_320 : i32
      %dma_start3A_322 = arith.constant 0 : i32
      %dma_start3A_323 = arith.constant 0 : i32
      %dma_start3A_324 = arith.constant 0 : i32
      %dma_start3A_325 = tpu.memref_slice %arg7[%dma_start3A_322, %dma_start3A_323, %dma_start3A_324] : memref<2x64x64xf32, #tpu.memory_space<vmem>> -> memref<1x64x64xf32, #tpu.memory_space<vmem>>
      %dma_start3A_326 = tpu.memref_squeeze %dma_start3A_325 : memref<1x64x64xf32, #tpu.memory_space<vmem>> -> memref<64x64xf32, #tpu.memory_space<vmem>>
      %dma_start3A_327 = arith.constant 0 : i32
      %dma_start3A_328 = tpu.memref_slice %arg4[%add3A_321, %dma_start3A_327] : memref<102400x128xf32, #tpu.memory_space<hbm>> -> memref<64x64xf32, #tpu.memory_space<hbm>>
      %dma_start3A_329 = arith.constant 0 : i32
      %dma_start3A_330 = tpu.memref_slice %arg4[%add3A_321, %dma_start3A_329] : memref<102400x128xf32, #tpu.memory_space<hbm>> -> memref<64x64xf32, #tpu.memory_space<hbm>>
      %dma_start3A_331 = arith.constant 0 : i32
      %dma_start3A_332 = arith.constant 0 : i32
      %dma_start3A_333 = tpu.memref_slice %arg7[%dma_start3A_322, %dma_start3A_331, %dma_start3A_332] : memref<2x64x64xf32, #tpu.memory_space<vmem>> -> memref<1x64x64xf32, #tpu.memory_space<vmem>>
      %dma_start3A_334 = tpu.memref_squeeze %dma_start3A_333 : memref<1x64x64xf32, #tpu.memory_space<vmem>> -> memref<64x64xf32, #tpu.memory_space<vmem>>
      tpu.enqueue_dma source(%dma_start3A_334 : memref<64x64xf32, #tpu.memory_space<vmem>>) target(%dma_start3A_330 : memref<64x64xf32, #tpu.memory_space<hbm>>) target_semaphore(%arg11 : memref<!tpu.dma_semaphore, #tpu.memory_space<semaphore_mem>>)
      %dma_start3A_335 = arith.constant 1 : i32
      %dma_start3A_336 = arith.constant 0 : i32
      %dma_start3A_337 = arith.constant 0 : i32
      %dma_start3A_338 = tpu.memref_slice %arg7[%dma_start3A_335, %dma_start3A_336, %dma_start3A_337] : memref<2x64x64xf32, #tpu.memory_space<vmem>> -> memref<1x64x64xf32, #tpu.memory_space<vmem>>
      %dma_start3A_339 = tpu.memref_squeeze %dma_start3A_338 : memref<1x64x64xf32, #tpu.memory_space<vmem>> -> memref<64x64xf32, #tpu.memory_space<vmem>>
      %dma_start3A_340 = arith.constant 64 : i32
      %dma_start3A_341 = tpu.memref_slice %arg4[%add3A_321, %dma_start3A_340] : memref<102400x128xf32, #tpu.memory_space<hbm>> -> memref<64x64xf32, #tpu.memory_space<hbm>>
      %dma_start3A_342 = arith.constant 64 : i32
      %dma_start3A_343 = tpu.memref_slice %arg4[%add3A_321, %dma_start3A_342] : memref<102400x128xf32, #tpu.memory_space<hbm>> -> memref<64x64xf32, #tpu.memory_space<hbm>>
      %dma_start3A_344 = arith.constant 0 : i32
      %dma_start3A_345 = arith.constant 0 : i32
      %dma_start3A_346 = tpu.memref_slice %arg7[%dma_start3A_335, %dma_start3A_344, %dma_start3A_345] : memref<2x64x64xf32, #tpu.memory_space<vmem>> -> memref<1x64x64xf32, #tpu.memory_space<vmem>>
      %dma_start3A_347 = tpu.memref_squeeze %dma_start3A_346 : memref<1x64x64xf32, #tpu.memory_space<vmem>> -> memref<64x64xf32, #tpu.memory_space<vmem>>
      tpu.enqueue_dma source(%dma_start3A_347 : memref<64x64xf32, #tpu.memory_space<vmem>>) target(%dma_start3A_343 : memref<64x64xf32, #tpu.memory_space<hbm>>) target_semaphore(%arg11 : memref<!tpu.dma_semaphore, #tpu.memory_space<semaphore_mem>>)
      %dma_wait3A_348 = arith.constant 0 : i32
      %dma_wait3A_349 = arith.constant 0 : i32
      %dma_wait3A_350 = arith.constant 0 : i32
      %dma_wait3A_351 = tpu.memref_slice %arg6[%dma_wait3A_348, %dma_wait3A_349, %dma_wait3A_350] : memref<2x64x64xf32, #tpu.memory_space<vmem>> -> memref<1x64x64xf32, #tpu.memory_space<vmem>>
      %dma_wait3A_352 = tpu.memref_squeeze %dma_wait3A_351 : memref<1x64x64xf32, #tpu.memory_space<vmem>> -> memref<64x64xf32, #tpu.memory_space<vmem>>
      %dma_wait3A_353 = arith.constant 0 : i32
      %dma_wait3A_354 = tpu.memref_slice %arg4[%select_n3A, %dma_wait3A_353] : memref<102400x128xf32, #tpu.memory_space<hbm>> -> memref<64x64xf32, #tpu.memory_space<hbm>>
      %dma_wait3A_355 = arith.constant 0 : i32
      %dma_wait3A_356 = tpu.memref_slice %arg4[%select_n3A, %dma_wait3A_355] : memref<102400x128xf32, #tpu.memory_space<hbm>> -> memref<64x64xf32, #tpu.memory_space<hbm>>
      %dma_wait3A_357 = arith.constant 0 : i32
      %dma_wait3A_358 = arith.constant 0 : i32
      %dma_wait3A_359 = tpu.memref_slice %arg6[%dma_wait3A_348, %dma_wait3A_357, %dma_wait3A_358] : memref<2x64x64xf32, #tpu.memory_space<vmem>> -> memref<1x64x64xf32, #tpu.memory_space<vmem>>
      %dma_wait3A_360 = tpu.memref_squeeze %dma_wait3A_359 : memref<1x64x64xf32, #tpu.memory_space<vmem>> -> memref<64x64xf32, #tpu.memory_space<vmem>>
      tpu.wait_dma2 semaphore(%arg10 : memref<!tpu.dma_semaphore, #tpu.memory_space<semaphore_mem>>) src(%dma_wait3A_360 : memref<64x64xf32, #tpu.memory_space<vmem>>) dst(%dma_wait3A_356 : memref<64x64xf32, #tpu.memory_space<hbm>>)
      %dma_wait3A_361 = arith.constant 1 : i32
      %dma_wait3A_362 = arith.constant 0 : i32
      %dma_wait3A_363 = arith.constant 0 : i32
      %dma_wait3A_364 = tpu.memref_slice %arg6[%dma_wait3A_361, %dma_wait3A_362, %dma_wait3A_363] : memref<2x64x64xf32, #tpu.memory_space<vmem>> -> memref<1x64x64xf32, #tpu.memory_space<vmem>>
      %dma_wait3A_365 = tpu.memref_squeeze %dma_wait3A_364 : memref<1x64x64xf32, #tpu.memory_space<vmem>> -> memref<64x64xf32, #tpu.memory_space<vmem>>
      %dma_wait3A_366 = arith.constant 0 : i32
      %dma_wait3A_367 = tpu.memref_slice %arg4[%select_n3A, %dma_wait3A_366] : memref<102400x128xf32, #tpu.memory_space<hbm>> -> memref<64x64xf32, #tpu.memory_space<hbm>>
      %dma_wait3A_368 = arith.constant 0 : i32
      %dma_wait3A_369 = tpu.memref_slice %arg4[%select_n3A, %dma_wait3A_368] : memref<102400x128xf32, #tpu.memory_space<hbm>> -> memref<64x64xf32, #tpu.memory_space<hbm>>
      %dma_wait3A_370 = arith.constant 0 : i32
      %dma_wait3A_371 = arith.constant 0 : i32
      %dma_wait3A_372 = tpu.memref_slice %arg6[%dma_wait3A_361, %dma_wait3A_370, %dma_wait3A_371] : memref<2x64x64xf32, #tpu.memory_space<vmem>> -> memref<1x64x64xf32, #tpu.memory_space<vmem>>
      %dma_wait3A_373 = tpu.memref_squeeze %dma_wait3A_372 : memref<1x64x64xf32, #tpu.memory_space<vmem>> -> memref<64x64xf32, #tpu.memory_space<vmem>>
      tpu.wait_dma2 semaphore(%arg10 : memref<!tpu.dma_semaphore, #tpu.memory_space<semaphore_mem>>) src(%dma_wait3A_373 : memref<64x64xf32, #tpu.memory_space<vmem>>) dst(%dma_wait3A_369 : memref<64x64xf32, #tpu.memory_space<hbm>>)
      %add3A_374 = arith.constant 2 : i32
      %add3A_375 = arith.addi %mul3A_235, %add3A_374 : i32
      %dma_start3A_376 = arith.constant 0 : i32
      %dma_start3A_377 = arith.constant 0 : i32
      %dma_start3A_378 = arith.constant 0 : i32
      %dma_start3A_379 = arith.constant 0 : i32
      %dma_start3A_380 = tpu.memref_slice %arg6[%dma_start3A_377, %dma_start3A_378, %dma_start3A_379] : memref<2x64x64xf32, #tpu.memory_space<vmem>> -> memref<1x64x64xf32, #tpu.memory_space<vmem>>
      %dma_start3A_381 = tpu.memref_squeeze %dma_start3A_380 : memref<1x64x64xf32, #tpu.memory_space<vmem>> -> memref<64x64xf32, #tpu.memory_space<vmem>>
      %dma_start3A_382 = arith.constant 0 : i32
      %dma_start3A_383 = tpu.memref_slice %arg5[%add3A_375, %dma_start3A_376, %dma_start3A_382] : memref<50x2x64xi32, #tpu.memory_space<vmem>> -> memref<1x1x64xi32, #tpu.memory_space<vmem>>
      %dma_start3A_384 = tpu.memref_squeeze %dma_start3A_383 : memref<1x1x64xi32, #tpu.memory_space<vmem>> -> memref<64xi32, #tpu.memory_space<vmem>>
      %dma_start3A_385 = arith.constant 0 : i32
      %dma_start3A_386 = arith.constant 0 : i32
      %dma_start3A_387 = tpu.memref_slice %arg3[%dma_start3A_385, %dma_start3A_386] : memref<1001472x64xf32, #tpu.memory_space<hbm>> -> memref<1001472x64xf32, #tpu.memory_space<hbm>>
      tpu.enqueue_indirect_dma source(%dma_start3A_387 : memref<1001472x64xf32, #tpu.memory_space<hbm>>) target(%dma_start3A_381 : memref<64x64xf32, #tpu.memory_space<vmem>>) offsets(%dma_start3A_384 : memref<64xi32, #tpu.memory_space<vmem>>) semaphore(%arg8 : memref<!tpu.dma_semaphore, #tpu.memory_space<semaphore_mem>>)
      %dma_start3A_388 = arith.constant 1 : i32
      %dma_start3A_389 = arith.constant 1 : i32
      %dma_start3A_390 = arith.constant 0 : i32
      %dma_start3A_391 = arith.constant 0 : i32
      %dma_start3A_392 = tpu.memref_slice %arg6[%dma_start3A_389, %dma_start3A_390, %dma_start3A_391] : memref<2x64x64xf32, #tpu.memory_space<vmem>> -> memref<1x64x64xf32, #tpu.memory_space<vmem>>
      %dma_start3A_393 = tpu.memref_squeeze %dma_start3A_392 : memref<1x64x64xf32, #tpu.memory_space<vmem>> -> memref<64x64xf32, #tpu.memory_space<vmem>>
      %dma_start3A_394 = arith.constant 0 : i32
      %dma_start3A_395 = tpu.memref_slice %arg5[%add3A_375, %dma_start3A_388, %dma_start3A_394] : memref<50x2x64xi32, #tpu.memory_space<vmem>> -> memref<1x1x64xi32, #tpu.memory_space<vmem>>
      %dma_start3A_396 = tpu.memref_squeeze %dma_start3A_395 : memref<1x1x64xi32, #tpu.memory_space<vmem>> -> memref<64xi32, #tpu.memory_space<vmem>>
      %dma_start3A_397 = arith.constant 0 : i32
      %dma_start3A_398 = arith.constant 0 : i32
      %dma_start3A_399 = tpu.memref_slice %arg3[%dma_start3A_397, %dma_start3A_398] : memref<1001472x64xf32, #tpu.memory_space<hbm>> -> memref<1001472x64xf32, #tpu.memory_space<hbm>>
      tpu.enqueue_indirect_dma source(%dma_start3A_399 : memref<1001472x64xf32, #tpu.memory_space<hbm>>) target(%dma_start3A_393 : memref<64x64xf32, #tpu.memory_space<vmem>>) offsets(%dma_start3A_396 : memref<64xi32, #tpu.memory_space<vmem>>) semaphore(%arg8 : memref<!tpu.dma_semaphore, #tpu.memory_space<semaphore_mem>>)
      %dma_wait3A_400 = arith.constant 0 : i32
      %dma_wait3A_401 = arith.constant 0 : i32
      %dma_wait3A_402 = arith.constant 0 : i32
      %dma_wait3A_403 = tpu.memref_slice %arg7[%dma_wait3A_400, %dma_wait3A_401, %dma_wait3A_402] : memref<2x64x64xf32, #tpu.memory_space<vmem>> -> memref<1x64x64xf32, #tpu.memory_space<vmem>>
      %dma_wait3A_404 = tpu.memref_squeeze %dma_wait3A_403 : memref<1x64x64xf32, #tpu.memory_space<vmem>> -> memref<64x64xf32, #tpu.memory_space<vmem>>
      %dma_wait3A_405 = arith.constant 0 : i32
      %dma_wait3A_406 = tpu.memref_slice %arg4[%select_n3A, %dma_wait3A_405] : memref<102400x128xf32, #tpu.memory_space<hbm>> -> memref<64x64xf32, #tpu.memory_space<hbm>>
      %dma_wait3A_407 = arith.constant 0 : i32
      %dma_wait3A_408 = tpu.memref_slice %arg4[%select_n3A, %dma_wait3A_407] : memref<102400x128xf32, #tpu.memory_space<hbm>> -> memref<64x64xf32, #tpu.memory_space<hbm>>
      %dma_wait3A_409 = arith.constant 0 : i32
      %dma_wait3A_410 = arith.constant 0 : i32
      %dma_wait3A_411 = tpu.memref_slice %arg7[%dma_wait3A_400, %dma_wait3A_409, %dma_wait3A_410] : memref<2x64x64xf32, #tpu.memory_space<vmem>> -> memref<1x64x64xf32, #tpu.memory_space<vmem>>
      %dma_wait3A_412 = tpu.memref_squeeze %dma_wait3A_411 : memref<1x64x64xf32, #tpu.memory_space<vmem>> -> memref<64x64xf32, #tpu.memory_space<vmem>>
      tpu.wait_dma2 semaphore(%arg11 : memref<!tpu.dma_semaphore, #tpu.memory_space<semaphore_mem>>) src(%dma_wait3A_412 : memref<64x64xf32, #tpu.memory_space<vmem>>) dst(%dma_wait3A_408 : memref<64x64xf32, #tpu.memory_space<hbm>>)
      %dma_wait3A_413 = arith.constant 1 : i32
      %dma_wait3A_414 = arith.constant 0 : i32
      %dma_wait3A_415 = arith.constant 0 : i32
      %dma_wait3A_416 = tpu.memref_slice %arg7[%dma_wait3A_413, %dma_wait3A_414, %dma_wait3A_415] : memref<2x64x64xf32, #tpu.memory_space<vmem>> -> memref<1x64x64xf32, #tpu.memory_space<vmem>>
      %dma_wait3A_417 = tpu.memref_squeeze %dma_wait3A_416 : memref<1x64x64xf32, #tpu.memory_space<vmem>> -> memref<64x64xf32, #tpu.memory_space<vmem>>
      %dma_wait3A_418 = arith.constant 0 : i32
      %dma_wait3A_419 = tpu.memref_slice %arg4[%select_n3A, %dma_wait3A_418] : memref<102400x128xf32, #tpu.memory_space<hbm>> -> memref<64x64xf32, #tpu.memory_space<hbm>>
      %dma_wait3A_420 = arith.constant 0 : i32
      %dma_wait3A_421 = tpu.memref_slice %arg4[%select_n3A, %dma_wait3A_420] : memref<102400x128xf32, #tpu.memory_space<hbm>> -> memref<64x64xf32, #tpu.memory_space<hbm>>
      %dma_wait3A_422 = arith.constant 0 : i32
      %dma_wait3A_423 = arith.constant 0 : i32
      %dma_wait3A_424 = tpu.memref_slice %arg7[%dma_wait3A_413, %dma_wait3A_422, %dma_wait3A_423] : memref<2x64x64xf32, #tpu.memory_space<vmem>> -> memref<1x64x64xf32, #tpu.memory_space<vmem>>
      %dma_wait3A_425 = tpu.memref_squeeze %dma_wait3A_424 : memref<1x64x64xf32, #tpu.memory_space<vmem>> -> memref<64x64xf32, #tpu.memory_space<vmem>>
      tpu.wait_dma2 semaphore(%arg11 : memref<!tpu.dma_semaphore, #tpu.memory_space<semaphore_mem>>) src(%dma_wait3A_425 : memref<64x64xf32, #tpu.memory_space<vmem>>) dst(%dma_wait3A_421 : memref<64x64xf32, #tpu.memory_space<hbm>>)
      %add3A_426 = arith.constant 3 : i32
      %add3A_427 = arith.addi %mul3A_235, %add3A_426 : i32
      %dma_start3A_428 = arith.constant 0 : i32
      %dma_start3A_429 = arith.constant 0 : i32
      %dma_start3A_430 = arith.constant 0 : i32
      %dma_start3A_431 = arith.constant 0 : i32
      %dma_start3A_432 = tpu.memref_slice %arg7[%dma_start3A_429, %dma_start3A_430, %dma_start3A_431] : memref<2x64x64xf32, #tpu.memory_space<vmem>> -> memref<1x64x64xf32, #tpu.memory_space<vmem>>
      %dma_start3A_433 = tpu.memref_squeeze %dma_start3A_432 : memref<1x64x64xf32, #tpu.memory_space<vmem>> -> memref<64x64xf32, #tpu.memory_space<vmem>>
      %dma_start3A_434 = arith.constant 0 : i32
      %dma_start3A_435 = tpu.memref_slice %arg5[%add3A_427, %dma_start3A_428, %dma_start3A_434] : memref<50x2x64xi32, #tpu.memory_space<vmem>> -> memref<1x1x64xi32, #tpu.memory_space<vmem>>
      %dma_start3A_436 = tpu.memref_squeeze %dma_start3A_435 : memref<1x1x64xi32, #tpu.memory_space<vmem>> -> memref<64xi32, #tpu.memory_space<vmem>>
      %dma_start3A_437 = arith.constant 0 : i32
      %dma_start3A_438 = arith.constant 0 : i32
      %dma_start3A_439 = tpu.memref_slice %arg3[%dma_start3A_437, %dma_start3A_438] : memref<1001472x64xf32, #tpu.memory_space<hbm>> -> memref<1001472x64xf32, #tpu.memory_space<hbm>>
      tpu.enqueue_indirect_dma source(%dma_start3A_439 : memref<1001472x64xf32, #tpu.memory_space<hbm>>) target(%dma_start3A_433 : memref<64x64xf32, #tpu.memory_space<vmem>>) offsets(%dma_start3A_436 : memref<64xi32, #tpu.memory_space<vmem>>) semaphore(%arg9 : memref<!tpu.dma_semaphore, #tpu.memory_space<semaphore_mem>>)
      %dma_start3A_440 = arith.constant 1 : i32
      %dma_start3A_441 = arith.constant 1 : i32
      %dma_start3A_442 = arith.constant 0 : i32
      %dma_start3A_443 = arith.constant 0 : i32
      %dma_start3A_444 = tpu.memref_slice %arg7[%dma_start3A_441, %dma_start3A_442, %dma_start3A_443] : memref<2x64x64xf32, #tpu.memory_space<vmem>> -> memref<1x64x64xf32, #tpu.memory_space<vmem>>
      %dma_start3A_445 = tpu.memref_squeeze %dma_start3A_444 : memref<1x64x64xf32, #tpu.memory_space<vmem>> -> memref<64x64xf32, #tpu.memory_space<vmem>>
      %dma_start3A_446 = arith.constant 0 : i32
      %dma_start3A_447 = tpu.memref_slice %arg5[%add3A_427, %dma_start3A_440, %dma_start3A_446] : memref<50x2x64xi32, #tpu.memory_space<vmem>> -> memref<1x1x64xi32, #tpu.memory_space<vmem>>
      %dma_start3A_448 = tpu.memref_squeeze %dma_start3A_447 : memref<1x1x64xi32, #tpu.memory_space<vmem>> -> memref<64xi32, #tpu.memory_space<vmem>>
      %dma_start3A_449 = arith.constant 0 : i32
      %dma_start3A_450 = arith.constant 0 : i32
      %dma_start3A_451 = tpu.memref_slice %arg3[%dma_start3A_449, %dma_start3A_450] : memref<1001472x64xf32, #tpu.memory_space<hbm>> -> memref<1001472x64xf32, #tpu.memory_space<hbm>>
      tpu.enqueue_indirect_dma source(%dma_start3A_451 : memref<1001472x64xf32, #tpu.memory_space<hbm>>) target(%dma_start3A_445 : memref<64x64xf32, #tpu.memory_space<vmem>>) offsets(%dma_start3A_448 : memref<64xi32, #tpu.memory_space<vmem>>) semaphore(%arg9 : memref<!tpu.dma_semaphore, #tpu.memory_space<semaphore_mem>>)
    }
    %scan3A_73 = arith.constant 24 : i32
    %dma_wait3A = arith.constant 0 : i32
    %dma_wait3A_74 = arith.constant 0 : i32
    %dma_wait3A_75 = arith.constant 0 : i32
    %dma_wait3A_76 = arith.constant 0 : i32
    %dma_wait3A_77 = arith.constant 0 : i32
    %dma_wait3A_78 = tpu.memref_slice %arg6[%dma_wait3A_75, %dma_wait3A_76, %dma_wait3A_77] : memref<2x64x64xf32, #tpu.memory_space<vmem>> -> memref<1x64x64xf32, #tpu.memory_space<vmem>>
    %dma_wait3A_79 = tpu.memref_squeeze %dma_wait3A_78 : memref<1x64x64xf32, #tpu.memory_space<vmem>> -> memref<64x64xf32, #tpu.memory_space<vmem>>
    %dma_wait3A_80 = arith.constant 0 : i32
    %dma_wait3A_81 = tpu.memref_slice %arg5[%dma_wait3A, %dma_wait3A_74, %dma_wait3A_80] : memref<50x2x64xi32, #tpu.memory_space<vmem>> -> memref<1x1x64xi32, #tpu.memory_space<vmem>>
    %dma_wait3A_82 = tpu.memref_squeeze %dma_wait3A_81 : memref<1x1x64xi32, #tpu.memory_space<vmem>> -> memref<64xi32, #tpu.memory_space<vmem>>
    %dma_wait3A_83 = arith.constant 0 : i32
    %dma_wait3A_84 = arith.constant 0 : i32
    %dma_wait3A_85 = tpu.memref_slice %arg3[%dma_wait3A_83, %dma_wait3A_84] : memref<1001472x64xf32, #tpu.memory_space<hbm>> -> memref<1001472x64xf32, #tpu.memory_space<hbm>>
    tpu.wait_indirect_dma semaphore(%arg8 : memref<!tpu.dma_semaphore, #tpu.memory_space<semaphore_mem>>) src(%dma_wait3A_85 : memref<1001472x64xf32, #tpu.memory_space<hbm>>) dst(%dma_wait3A_79 : memref<64x64xf32, #tpu.memory_space<vmem>>)
    %dma_wait3A_86 = arith.constant 0 : i32
    %dma_wait3A_87 = arith.constant 0 : i32
    %dma_wait3A_88 = arith.constant 1 : i32
    %dma_wait3A_89 = arith.constant 0 : i32
    %dma_wait3A_90 = arith.constant 0 : i32
    %dma_wait3A_91 = tpu.memref_slice %arg6[%dma_wait3A_88, %dma_wait3A_89, %dma_wait3A_90] : memref<2x64x64xf32, #tpu.memory_space<vmem>> -> memref<1x64x64xf32, #tpu.memory_space<vmem>>
    %dma_wait3A_92 = tpu.memref_squeeze %dma_wait3A_91 : memref<1x64x64xf32, #tpu.memory_space<vmem>> -> memref<64x64xf32, #tpu.memory_space<vmem>>
    %dma_wait3A_93 = arith.constant 0 : i32
    %dma_wait3A_94 = tpu.memref_slice %arg5[%dma_wait3A_86, %dma_wait3A_87, %dma_wait3A_93] : memref<50x2x64xi32, #tpu.memory_space<vmem>> -> memref<1x1x64xi32, #tpu.memory_space<vmem>>
    %dma_wait3A_95 = tpu.memref_squeeze %dma_wait3A_94 : memref<1x1x64xi32, #tpu.memory_space<vmem>> -> memref<64xi32, #tpu.memory_space<vmem>>
    %dma_wait3A_96 = arith.constant 0 : i32
    %dma_wait3A_97 = arith.constant 0 : i32
    %dma_wait3A_98 = tpu.memref_slice %arg3[%dma_wait3A_96, %dma_wait3A_97] : memref<1001472x64xf32, #tpu.memory_space<hbm>> -> memref<1001472x64xf32, #tpu.memory_space<hbm>>
    tpu.wait_indirect_dma semaphore(%arg8 : memref<!tpu.dma_semaphore, #tpu.memory_space<semaphore_mem>>) src(%dma_wait3A_98 : memref<1001472x64xf32, #tpu.memory_space<hbm>>) dst(%dma_wait3A_92 : memref<64x64xf32, #tpu.memory_space<vmem>>)
    %add3A_99 = arith.constant 3072 : i32
    %add3A_100 = arith.addi %select_n3A, %add3A_99 : i32
    %dma_start3A_101 = arith.constant 0 : i32
    %dma_start3A_102 = arith.constant 0 : i32
    %dma_start3A_103 = arith.constant 0 : i32
    %dma_start3A_104 = tpu.memref_slice %arg6[%dma_start3A_101, %dma_start3A_102, %dma_start3A_103] : memref<2x64x64xf32, #tpu.memory_space<vmem>> -> memref<1x64x64xf32, #tpu.memory_space<vmem>>
    %dma_start3A_105 = tpu.memref_squeeze %dma_start3A_104 : memref<1x64x64xf32, #tpu.memory_space<vmem>> -> memref<64x64xf32, #tpu.memory_space<vmem>>
    %dma_start3A_106 = arith.constant 0 : i32
    %dma_start3A_107 = tpu.memref_slice %arg4[%add3A_100, %dma_start3A_106] : memref<102400x128xf32, #tpu.memory_space<hbm>> -> memref<64x64xf32, #tpu.memory_space<hbm>>
    %dma_start3A_108 = arith.constant 0 : i32
    %dma_start3A_109 = tpu.memref_slice %arg4[%add3A_100, %dma_start3A_108] : memref<102400x128xf32, #tpu.memory_space<hbm>> -> memref<64x64xf32, #tpu.memory_space<hbm>>
    %dma_start3A_110 = arith.constant 0 : i32
    %dma_start3A_111 = arith.constant 0 : i32
    %dma_start3A_112 = tpu.memref_slice %arg6[%dma_start3A_101, %dma_start3A_110, %dma_start3A_111] : memref<2x64x64xf32, #tpu.memory_space<vmem>> -> memref<1x64x64xf32, #tpu.memory_space<vmem>>
    %dma_start3A_113 = tpu.memref_squeeze %dma_start3A_112 : memref<1x64x64xf32, #tpu.memory_space<vmem>> -> memref<64x64xf32, #tpu.memory_space<vmem>>
    tpu.enqueue_dma source(%dma_start3A_113 : memref<64x64xf32, #tpu.memory_space<vmem>>) target(%dma_start3A_109 : memref<64x64xf32, #tpu.memory_space<hbm>>) target_semaphore(%arg10 : memref<!tpu.dma_semaphore, #tpu.memory_space<semaphore_mem>>)
    %dma_start3A_114 = arith.constant 1 : i32
    %dma_start3A_115 = arith.constant 0 : i32
    %dma_start3A_116 = arith.constant 0 : i32
    %dma_start3A_117 = tpu.memref_slice %arg6[%dma_start3A_114, %dma_start3A_115, %dma_start3A_116] : memref<2x64x64xf32, #tpu.memory_space<vmem>> -> memref<1x64x64xf32, #tpu.memory_space<vmem>>
    %dma_start3A_118 = tpu.memref_squeeze %dma_start3A_117 : memref<1x64x64xf32, #tpu.memory_space<vmem>> -> memref<64x64xf32, #tpu.memory_space<vmem>>
    %dma_start3A_119 = arith.constant 64 : i32
    %dma_start3A_120 = tpu.memref_slice %arg4[%add3A_100, %dma_start3A_119] : memref<102400x128xf32, #tpu.memory_space<hbm>> -> memref<64x64xf32, #tpu.memory_space<hbm>>
    %dma_start3A_121 = arith.constant 64 : i32
    %dma_start3A_122 = tpu.memref_slice %arg4[%add3A_100, %dma_start3A_121] : memref<102400x128xf32, #tpu.memory_space<hbm>> -> memref<64x64xf32, #tpu.memory_space<hbm>>
    %dma_start3A_123 = arith.constant 0 : i32
    %dma_start3A_124 = arith.constant 0 : i32
    %dma_start3A_125 = tpu.memref_slice %arg6[%dma_start3A_114, %dma_start3A_123, %dma_start3A_124] : memref<2x64x64xf32, #tpu.memory_space<vmem>> -> memref<1x64x64xf32, #tpu.memory_space<vmem>>
    %dma_start3A_126 = tpu.memref_squeeze %dma_start3A_125 : memref<1x64x64xf32, #tpu.memory_space<vmem>> -> memref<64x64xf32, #tpu.memory_space<vmem>>
    tpu.enqueue_dma source(%dma_start3A_126 : memref<64x64xf32, #tpu.memory_space<vmem>>) target(%dma_start3A_122 : memref<64x64xf32, #tpu.memory_space<hbm>>) target_semaphore(%arg10 : memref<!tpu.dma_semaphore, #tpu.memory_space<semaphore_mem>>)
    %dma_wait3A_127 = arith.constant 0 : i32
    %dma_wait3A_128 = arith.constant 0 : i32
    %dma_wait3A_129 = arith.constant 0 : i32
    %dma_wait3A_130 = arith.constant 0 : i32
    %dma_wait3A_131 = arith.constant 0 : i32
    %dma_wait3A_132 = tpu.memref_slice %arg7[%dma_wait3A_129, %dma_wait3A_130, %dma_wait3A_131] : memref<2x64x64xf32, #tpu.memory_space<vmem>> -> memref<1x64x64xf32, #tpu.memory_space<vmem>>
    %dma_wait3A_133 = tpu.memref_squeeze %dma_wait3A_132 : memref<1x64x64xf32, #tpu.memory_space<vmem>> -> memref<64x64xf32, #tpu.memory_space<vmem>>
    %dma_wait3A_134 = arith.constant 0 : i32
    %dma_wait3A_135 = tpu.memref_slice %arg5[%dma_wait3A_127, %dma_wait3A_128, %dma_wait3A_134] : memref<50x2x64xi32, #tpu.memory_space<vmem>> -> memref<1x1x64xi32, #tpu.memory_space<vmem>>
    %dma_wait3A_136 = tpu.memref_squeeze %dma_wait3A_135 : memref<1x1x64xi32, #tpu.memory_space<vmem>> -> memref<64xi32, #tpu.memory_space<vmem>>
    %dma_wait3A_137 = arith.constant 0 : i32
    %dma_wait3A_138 = arith.constant 0 : i32
    %dma_wait3A_139 = tpu.memref_slice %arg3[%dma_wait3A_137, %dma_wait3A_138] : memref<1001472x64xf32, #tpu.memory_space<hbm>> -> memref<1001472x64xf32, #tpu.memory_space<hbm>>
    tpu.wait_indirect_dma semaphore(%arg9 : memref<!tpu.dma_semaphore, #tpu.memory_space<semaphore_mem>>) src(%dma_wait3A_139 : memref<1001472x64xf32, #tpu.memory_space<hbm>>) dst(%dma_wait3A_133 : memref<64x64xf32, #tpu.memory_space<vmem>>)
    %dma_wait3A_140 = arith.constant 0 : i32
    %dma_wait3A_141 = arith.constant 0 : i32
    %dma_wait3A_142 = arith.constant 1 : i32
    %dma_wait3A_143 = arith.constant 0 : i32
    %dma_wait3A_144 = arith.constant 0 : i32
    %dma_wait3A_145 = tpu.memref_slice %arg7[%dma_wait3A_142, %dma_wait3A_143, %dma_wait3A_144] : memref<2x64x64xf32, #tpu.memory_space<vmem>> -> memref<1x64x64xf32, #tpu.memory_space<vmem>>
    %dma_wait3A_146 = tpu.memref_squeeze %dma_wait3A_145 : memref<1x64x64xf32, #tpu.memory_space<vmem>> -> memref<64x64xf32, #tpu.memory_space<vmem>>
    %dma_wait3A_147 = arith.constant 0 : i32
    %dma_wait3A_148 = tpu.memref_slice %arg5[%dma_wait3A_140, %dma_wait3A_141, %dma_wait3A_147] : memref<50x2x64xi32, #tpu.memory_space<vmem>> -> memref<1x1x64xi32, #tpu.memory_space<vmem>>
    %dma_wait3A_149 = tpu.memref_squeeze %dma_wait3A_148 : memref<1x1x64xi32, #tpu.memory_space<vmem>> -> memref<64xi32, #tpu.memory_space<vmem>>
    %dma_wait3A_150 = arith.constant 0 : i32
    %dma_wait3A_151 = arith.constant 0 : i32
    %dma_wait3A_152 = tpu.memref_slice %arg3[%dma_wait3A_150, %dma_wait3A_151] : memref<1001472x64xf32, #tpu.memory_space<hbm>> -> memref<1001472x64xf32, #tpu.memory_space<hbm>>
    tpu.wait_indirect_dma semaphore(%arg9 : memref<!tpu.dma_semaphore, #tpu.memory_space<semaphore_mem>>) src(%dma_wait3A_152 : memref<1001472x64xf32, #tpu.memory_space<hbm>>) dst(%dma_wait3A_146 : memref<64x64xf32, #tpu.memory_space<vmem>>)
    %add3A_153 = arith.constant 3136 : i32
    %add3A_154 = arith.addi %select_n3A, %add3A_153 : i32
    %dma_start3A_155 = arith.constant 0 : i32
    %dma_start3A_156 = arith.constant 0 : i32
    %dma_start3A_157 = arith.constant 0 : i32
    %dma_start3A_158 = tpu.memref_slice %arg7[%dma_start3A_155, %dma_start3A_156, %dma_start3A_157] : memref<2x64x64xf32, #tpu.memory_space<vmem>> -> memref<1x64x64xf32, #tpu.memory_space<vmem>>
    %dma_start3A_159 = tpu.memref_squeeze %dma_start3A_158 : memref<1x64x64xf32, #tpu.memory_space<vmem>> -> memref<64x64xf32, #tpu.memory_space<vmem>>
    %dma_start3A_160 = arith.constant 0 : i32
    %dma_start3A_161 = tpu.memref_slice %arg4[%add3A_154, %dma_start3A_160] : memref<102400x128xf32, #tpu.memory_space<hbm>> -> memref<64x64xf32, #tpu.memory_space<hbm>>
    %dma_start3A_162 = arith.constant 0 : i32
    %dma_start3A_163 = tpu.memref_slice %arg4[%add3A_154, %dma_start3A_162] : memref<102400x128xf32, #tpu.memory_space<hbm>> -> memref<64x64xf32, #tpu.memory_space<hbm>>
    %dma_start3A_164 = arith.constant 0 : i32
    %dma_start3A_165 = arith.constant 0 : i32
    %dma_start3A_166 = tpu.memref_slice %arg7[%dma_start3A_155, %dma_start3A_164, %dma_start3A_165] : memref<2x64x64xf32, #tpu.memory_space<vmem>> -> memref<1x64x64xf32, #tpu.memory_space<vmem>>
    %dma_start3A_167 = tpu.memref_squeeze %dma_start3A_166 : memref<1x64x64xf32, #tpu.memory_space<vmem>> -> memref<64x64xf32, #tpu.memory_space<vmem>>
    tpu.enqueue_dma source(%dma_start3A_167 : memref<64x64xf32, #tpu.memory_space<vmem>>) target(%dma_start3A_163 : memref<64x64xf32, #tpu.memory_space<hbm>>) target_semaphore(%arg11 : memref<!tpu.dma_semaphore, #tpu.memory_space<semaphore_mem>>)
    %dma_start3A_168 = arith.constant 1 : i32
    %dma_start3A_169 = arith.constant 0 : i32
    %dma_start3A_170 = arith.constant 0 : i32
    %dma_start3A_171 = tpu.memref_slice %arg7[%dma_start3A_168, %dma_start3A_169, %dma_start3A_170] : memref<2x64x64xf32, #tpu.memory_space<vmem>> -> memref<1x64x64xf32, #tpu.memory_space<vmem>>
    %dma_start3A_172 = tpu.memref_squeeze %dma_start3A_171 : memref<1x64x64xf32, #tpu.memory_space<vmem>> -> memref<64x64xf32, #tpu.memory_space<vmem>>
    %dma_start3A_173 = arith.constant 64 : i32
    %dma_start3A_174 = tpu.memref_slice %arg4[%add3A_154, %dma_start3A_173] : memref<102400x128xf32, #tpu.memory_space<hbm>> -> memref<64x64xf32, #tpu.memory_space<hbm>>
    %dma_start3A_175 = arith.constant 64 : i32
    %dma_start3A_176 = tpu.memref_slice %arg4[%add3A_154, %dma_start3A_175] : memref<102400x128xf32, #tpu.memory_space<hbm>> -> memref<64x64xf32, #tpu.memory_space<hbm>>
    %dma_start3A_177 = arith.constant 0 : i32
    %dma_start3A_178 = arith.constant 0 : i32
    %dma_start3A_179 = tpu.memref_slice %arg7[%dma_start3A_168, %dma_start3A_177, %dma_start3A_178] : memref<2x64x64xf32, #tpu.memory_space<vmem>> -> memref<1x64x64xf32, #tpu.memory_space<vmem>>
    %dma_start3A_180 = tpu.memref_squeeze %dma_start3A_179 : memref<1x64x64xf32, #tpu.memory_space<vmem>> -> memref<64x64xf32, #tpu.memory_space<vmem>>
    tpu.enqueue_dma source(%dma_start3A_180 : memref<64x64xf32, #tpu.memory_space<vmem>>) target(%dma_start3A_176 : memref<64x64xf32, #tpu.memory_space<hbm>>) target_semaphore(%arg11 : memref<!tpu.dma_semaphore, #tpu.memory_space<semaphore_mem>>)
    %dma_wait3A_181 = arith.constant 0 : i32
    %dma_wait3A_182 = arith.constant 0 : i32
    %dma_wait3A_183 = arith.constant 0 : i32
    %dma_wait3A_184 = tpu.memref_slice %arg6[%dma_wait3A_181, %dma_wait3A_182, %dma_wait3A_183] : memref<2x64x64xf32, #tpu.memory_space<vmem>> -> memref<1x64x64xf32, #tpu.memory_space<vmem>>
    %dma_wait3A_185 = tpu.memref_squeeze %dma_wait3A_184 : memref<1x64x64xf32, #tpu.memory_space<vmem>> -> memref<64x64xf32, #tpu.memory_space<vmem>>
    %dma_wait3A_186 = arith.constant 0 : i32
    %dma_wait3A_187 = tpu.memref_slice %arg4[%select_n3A, %dma_wait3A_186] : memref<102400x128xf32, #tpu.memory_space<hbm>> -> memref<64x64xf32, #tpu.memory_space<hbm>>
    %dma_wait3A_188 = arith.constant 0 : i32
    %dma_wait3A_189 = tpu.memref_slice %arg4[%select_n3A, %dma_wait3A_188] : memref<102400x128xf32, #tpu.memory_space<hbm>> -> memref<64x64xf32, #tpu.memory_space<hbm>>
    %dma_wait3A_190 = arith.constant 0 : i32
    %dma_wait3A_191 = arith.constant 0 : i32
    %dma_wait3A_192 = tpu.memref_slice %arg6[%dma_wait3A_181, %dma_wait3A_190, %dma_wait3A_191] : memref<2x64x64xf32, #tpu.memory_space<vmem>> -> memref<1x64x64xf32, #tpu.memory_space<vmem>>
    %dma_wait3A_193 = tpu.memref_squeeze %dma_wait3A_192 : memref<1x64x64xf32, #tpu.memory_space<vmem>> -> memref<64x64xf32, #tpu.memory_space<vmem>>
    tpu.wait_dma2 semaphore(%arg10 : memref<!tpu.dma_semaphore, #tpu.memory_space<semaphore_mem>>) src(%dma_wait3A_193 : memref<64x64xf32, #tpu.memory_space<vmem>>) dst(%dma_wait3A_189 : memref<64x64xf32, #tpu.memory_space<hbm>>)
    %dma_wait3A_194 = arith.constant 1 : i32
    %dma_wait3A_195 = arith.constant 0 : i32
    %dma_wait3A_196 = arith.constant 0 : i32
    %dma_wait3A_197 = tpu.memref_slice %arg6[%dma_wait3A_194, %dma_wait3A_195, %dma_wait3A_196] : memref<2x64x64xf32, #tpu.memory_space<vmem>> -> memref<1x64x64xf32, #tpu.memory_space<vmem>>
    %dma_wait3A_198 = tpu.memref_squeeze %dma_wait3A_197 : memref<1x64x64xf32, #tpu.memory_space<vmem>> -> memref<64x64xf32, #tpu.memory_space<vmem>>
    %dma_wait3A_199 = arith.constant 0 : i32
    %dma_wait3A_200 = tpu.memref_slice %arg4[%select_n3A, %dma_wait3A_199] : memref<102400x128xf32, #tpu.memory_space<hbm>> -> memref<64x64xf32, #tpu.memory_space<hbm>>
    %dma_wait3A_201 = arith.constant 0 : i32
    %dma_wait3A_202 = tpu.memref_slice %arg4[%select_n3A, %dma_wait3A_201] : memref<102400x128xf32, #tpu.memory_space<hbm>> -> memref<64x64xf32, #tpu.memory_space<hbm>>
    %dma_wait3A_203 = arith.constant 0 : i32
    %dma_wait3A_204 = arith.constant 0 : i32
    %dma_wait3A_205 = tpu.memref_slice %arg6[%dma_wait3A_194, %dma_wait3A_203, %dma_wait3A_204] : memref<2x64x64xf32, #tpu.memory_space<vmem>> -> memref<1x64x64xf32, #tpu.memory_space<vmem>>
    %dma_wait3A_206 = tpu.memref_squeeze %dma_wait3A_205 : memref<1x64x64xf32, #tpu.memory_space<vmem>> -> memref<64x64xf32, #tpu.memory_space<vmem>>
    tpu.wait_dma2 semaphore(%arg10 : memref<!tpu.dma_semaphore, #tpu.memory_space<semaphore_mem>>) src(%dma_wait3A_206 : memref<64x64xf32, #tpu.memory_space<vmem>>) dst(%dma_wait3A_202 : memref<64x64xf32, #tpu.memory_space<hbm>>)
    %dma_wait3A_207 = arith.constant 0 : i32
    %dma_wait3A_208 = arith.constant 0 : i32
    %dma_wait3A_209 = arith.constant 0 : i32
    %dma_wait3A_210 = tpu.memref_slice %arg7[%dma_wait3A_207, %dma_wait3A_208, %dma_wait3A_209] : memref<2x64x64xf32, #tpu.memory_space<vmem>> -> memref<1x64x64xf32, #tpu.memory_space<vmem>>
    %dma_wait3A_211 = tpu.memref_squeeze %dma_wait3A_210 : memref<1x64x64xf32, #tpu.memory_space<vmem>> -> memref<64x64xf32, #tpu.memory_space<vmem>>
    %dma_wait3A_212 = arith.constant 0 : i32
    %dma_wait3A_213 = tpu.memref_slice %arg4[%select_n3A, %dma_wait3A_212] : memref<102400x128xf32, #tpu.memory_space<hbm>> -> memref<64x64xf32, #tpu.memory_space<hbm>>
    %dma_wait3A_214 = arith.constant 0 : i32
    %dma_wait3A_215 = tpu.memref_slice %arg4[%select_n3A, %dma_wait3A_214] : memref<102400x128xf32, #tpu.memory_space<hbm>> -> memref<64x64xf32, #tpu.memory_space<hbm>>
    %dma_wait3A_216 = arith.constant 0 : i32
    %dma_wait3A_217 = arith.constant 0 : i32
    %dma_wait3A_218 = tpu.memref_slice %arg7[%dma_wait3A_207, %dma_wait3A_216, %dma_wait3A_217] : memref<2x64x64xf32, #tpu.memory_space<vmem>> -> memref<1x64x64xf32, #tpu.memory_space<vmem>>
    %dma_wait3A_219 = tpu.memref_squeeze %dma_wait3A_218 : memref<1x64x64xf32, #tpu.memory_space<vmem>> -> memref<64x64xf32, #tpu.memory_space<vmem>>
    tpu.wait_dma2 semaphore(%arg11 : memref<!tpu.dma_semaphore, #tpu.memory_space<semaphore_mem>>) src(%dma_wait3A_219 : memref<64x64xf32, #tpu.memory_space<vmem>>) dst(%dma_wait3A_215 : memref<64x64xf32, #tpu.memory_space<hbm>>)
    %dma_wait3A_220 = arith.constant 1 : i32
    %dma_wait3A_221 = arith.constant 0 : i32
    %dma_wait3A_222 = arith.constant 0 : i32
    %dma_wait3A_223 = tpu.memref_slice %arg7[%dma_wait3A_220, %dma_wait3A_221, %dma_wait3A_222] : memref<2x64x64xf32, #tpu.memory_space<vmem>> -> memref<1x64x64xf32, #tpu.memory_space<vmem>>
    %dma_wait3A_224 = tpu.memref_squeeze %dma_wait3A_223 : memref<1x64x64xf32, #tpu.memory_space<vmem>> -> memref<64x64xf32, #tpu.memory_space<vmem>>
    %dma_wait3A_225 = arith.constant 0 : i32
    %dma_wait3A_226 = tpu.memref_slice %arg4[%select_n3A, %dma_wait3A_225] : memref<102400x128xf32, #tpu.memory_space<hbm>> -> memref<64x64xf32, #tpu.memory_space<hbm>>
    %dma_wait3A_227 = arith.constant 0 : i32
    %dma_wait3A_228 = tpu.memref_slice %arg4[%select_n3A, %dma_wait3A_227] : memref<102400x128xf32, #tpu.memory_space<hbm>> -> memref<64x64xf32, #tpu.memory_space<hbm>>
    %dma_wait3A_229 = arith.constant 0 : i32
    %dma_wait3A_230 = arith.constant 0 : i32
    %dma_wait3A_231 = tpu.memref_slice %arg7[%dma_wait3A_220, %dma_wait3A_229, %dma_wait3A_230] : memref<2x64x64xf32, #tpu.memory_space<vmem>> -> memref<1x64x64xf32, #tpu.memory_space<vmem>>
    %dma_wait3A_232 = tpu.memref_squeeze %dma_wait3A_231 : memref<1x64x64xf32, #tpu.memory_space<vmem>> -> memref<64x64xf32, #tpu.memory_space<vmem>>
    tpu.wait_dma2 semaphore(%arg11 : memref<!tpu.dma_semaphore, #tpu.memory_space<semaphore_mem>>) src(%dma_wait3A_232 : memref<64x64xf32, #tpu.memory_space<vmem>>) dst(%dma_wait3A_228 : memref<64x64xf32, #tpu.memory_space<hbm>>)
    return
  }
}

module attributes {stable_mosaic.version = 14 : i64} {
  func.func @detile_body(%arg0: i32, %arg1: memref<64x2048xf32, #tpu.memory_space<vmem>>, %arg2: memref<1024x128xf32, #tpu.memory_space<vmem>>) attributes {dimension_semantics = [#tpu.dimension_semantics<arbitrary>], iteration_bounds = array<i64: 489>, scalar_prefetch = 0 : i64, scratch_operands = 0 : i64, tpu.core_type = #tpu.core_type<tc>, window_params = [{transform_indices = @transform_0, window_bounds = array<i64: 64, 2048>}, {transform_indices = @transform_1, window_bounds = array<i64: 1024, 128>}]} {
    %get3A = arith.constant 0 : index
    %get3A_0 = arith.constant 0 : index
    %get3A_1 = vector.load %arg1[%get3A, %get3A_0] : memref<64x2048xf32, #tpu.memory_space<vmem>>, vector<64x2048xf32>
    %transpose3A = tpu.transpose %get3A_1, [1, 0] : vector<64x2048xf32> -> vector<2048x64xf32>
    %slice3A = vector.extract_strided_slice %transpose3A {offsets = [0, 0], sizes = [1024, 64], strides = [1, 1]} : vector<2048x64xf32> to vector<1024x64xf32>
    %slice3A_2 = vector.extract_strided_slice %transpose3A {offsets = [1024, 0], sizes = [1024, 64], strides = [1, 1]} : vector<2048x64xf32> to vector<1024x64xf32>
    %concatenate3A = tpu.concatenate %slice3A, %slice3A_2 in 1 : vector<1024x64xf32>, vector<1024x64xf32> -> vector<1024x128xf32>
    %swap3A = arith.constant 0 : index
    %swap3A_3 = arith.constant 0 : index
    %swap3A_4 = vector.load %arg2[%swap3A, %swap3A_3] : memref<1024x128xf32, #tpu.memory_space<vmem>>, vector<1024x128xf32>
    tpu.vector_store %arg2[%swap3A, %swap3A_3], %concatenate3A {strides = array<i32>} : memref<1024x128xf32, #tpu.memory_space<vmem>>, vector<1024x128xf32>,
    return
  }
  func.func @transform_0(%arg0: i32) -> (i32, i32) {
    %c0_i32 = arith.constant 0 : i32
    %c0_i32_0 = arith.constant 0 : i32
    return %c0_i32, %arg0 : i32, i32
  }
  func.func @transform_1(%arg0: i32) -> (i32, i32) {
    %c0_i32 = arith.constant 0 : i32
    %c0_i32_0 = arith.constant 0 : i32
    return %arg0, %c0_i32 : i32, i32
  }
}

module attributes {stable_mosaic.version = 14 : i64} {
  func.func @concat_body(%arg0: i32, %arg1: i32, %arg2: memref<10x128x256xf32, #tpu.memory_space<vmem>>, %arg3: memref<5x128x128xf32, #tpu.memory_space<vmem>>, %arg4: memref<10x320x128xf32, #tpu.memory_space<vmem>>) attributes {dimension_semantics = [#tpu.dimension_semantics<arbitrary>, #tpu.dimension_semantics<arbitrary>], iteration_bounds = array<i64: 32, 5>, scalar_prefetch = 0 : i64, scratch_operands = 0 : i64, tpu.core_type = #tpu.core_type<tc>, window_params = [{transform_indices = @transform_0, window_bounds = array<i64: 10, 128, 256>}, {transform_indices = @transform_1, window_bounds = array<i64: 5, 128, 128>}, {transform_indices = @transform_2, window_bounds = array<i64: 10, 320, 128>}]} {
    %get3A = arith.constant 0 : index
    %get3A_0 = arith.constant 0 : index
    %get3A_1 = arith.constant 0 : index
    %get3A_2 = vector.load %arg2[%get3A, %get3A_0, %get3A_1] : memref<10x128x256xf32, #tpu.memory_space<vmem>>, vector<10x128x256xf32>
    %transpose3A = tpu.transpose %get3A_2, [0, 2, 1] : vector<10x128x256xf32> -> vector<10x256x128xf32>
    %get3A_3 = arith.constant 0 : index
    %get3A_4 = arith.constant 0 : index
    %get3A_5 = arith.constant 0 : index
    %get3A_6 = vector.load %arg3[%get3A_3, %get3A_4, %get3A_5] : memref<5x128x128xf32, #tpu.memory_space<vmem>>, vector<5x128x128xf32>
    %transpose3A_7 = tpu.transpose %get3A_6, [0, 2, 1] : vector<5x128x128xf32> -> vector<5x128x128xf32>
    %reshape3A = vector.shape_cast %transpose3A_7 : vector<5x128x128xf32> to vector<10x64x128xf32>
    %concatenate3A = tpu.concatenate %transpose3A, %reshape3A in 1 : vector<10x256x128xf32>, vector<10x64x128xf32> -> vector<10x320x128xf32>
    %swap3A = arith.constant 0 : index
    %swap3A_8 = arith.constant 0 : index
    %swap3A_9 = arith.constant 0 : index
    %swap3A_10 = vector.load %arg4[%swap3A, %swap3A_8, %swap3A_9] : memref<10x320x128xf32, #tpu.memory_space<vmem>>, vector<10x320x128xf32>
    tpu.vector_store %arg4[%swap3A, %swap3A_8, %swap3A_9], %concatenate3A {strides = array<i32>} : memref<10x320x128xf32, #tpu.memory_space<vmem>>, vector<10x320x128xf32>,
    return
  }
  func.func @transform_0(%arg0: i32, %arg1: i32) -> (i32, i32, i32) {
    %c0_i32 = arith.constant 0 : i32
    %c0_i32_0 = arith.constant 0 : i32
    return %arg1, %arg0, %c0_i32 : i32, i32, i32
  }
  func.func @transform_1(%arg0: i32, %arg1: i32) -> (i32, i32, i32) {
    %c0_i32 = arith.constant 0 : i32
    %c0_i32_0 = arith.constant 0 : i32
    return %arg1, %arg0, %c0_i32 : i32, i32, i32
  }
  func.func @transform_2(%arg0: i32, %arg1: i32) -> (i32, i32, i32) {
    %c0_i32 = arith.constant 0 : i32
    %c0_i32_0 = arith.constant 0 : i32
    return %arg1, %c0_i32, %arg0 : i32, i32, i32
  }
}

</mosaic_0001>

<sc_bundles>
// kernel: kernel.5.cloned.1.call-start
scs
__scs_entry_jumppad:
0x0: {  	(pc) =	sbr.rel $0x88, $3  }
0x1: {  	(tag) =	ssettag $0x0;
	lr =	simm.s32 $0x1  }
0x2: {  	[smem:$0x3F9E] =	sst lr;
	_ =	strace $0xD0000000  }
0x3: {  	_ = 	snop  }
0x4: {  	_ = 	snop  }
0x5: {  	_ = 	snop  }
0x6: {  	_ = 	snop  }
0x7: {  	_ = 	snop  }
__scs_overlays_trampoline_lowered:
0x8: {  	[smem:$0x3FAD] =	sst s0  }
0x9: {  	[smem:$0x3FAE] =	sst s1  }
0xa: {  	[smem:$0x3FAF] =	sst s2  }
0xb: {  	[smem:$0x3FB0] =	sst s3  }
0xc: {  	[smem:$0x3FB1] =	sst s4  }
0xd: {  	[smem:$0x3FB2] =	sst s5  }
0xe: {  	[smem:$0x3FB3] =	sst s6  }
0xf: {  	[smem:$0x3FB4] =	sst s7  }
0x10: {  	[smem:$0x3FB5] =	sst s8  }
0x11: {  	[smem:$0x3FB6] =	sst s9;
	s0 =	simm.s32 @!p0 $0x0  }
0x12: {  	s1 =	sld [smem:$0x3F9C];
	s0 =	simm.s32 @p0 $0x1  }
0x13: {  	[smem:$0x3FB7] =	sst s0;
	s0 =	simm.s32 @!p1 $0x0  }
0x14: {  	s2 =	sld [smem:$0x3F9B];
	s0 =	simm.s32 @p1 $0x1  }
0x15: {  	[smem:$0x3FB8] =	sst s0;
	s0 =	simm.s32 @!p2 $0x0  }
0x16: {  	s3 =	sld [smem:$0x3FDB];
	s0 =	simm.s32 @p2 $0x1  }
0x17: {  	s4 =	simm.s32 $0x1BF5;
	[smem:$0x3FBA] =	sst s0  }
0x18: {  	s0 =	sld [smem:$0x3F9D];
	_ =	swait.ge [sflag:s4], $0x0  }
0x19: {  	s7 =	sld [smem:$0x3F9E]  }
0x1a: {  	s8 =	sadd.s32 $0xFFFFE003, lr  }
0x1b: {  	s9 =	sadd.s32 $0xFFFFFEF7, lr;
	s5 =	simm.s32 $0xFFFFFFFF;
	p2 =	slt.u32 s8, $0xFFFFF086  }
0x1c: {  	p1 =	slt.u32 s9, $0xF7A;
	s5 =	simm.s32 @!p2 $0x0  }
0x1d: {  	s5 =	simm.s32 @p1 $0x1;
	p0 =	seq.s32 s7, s2  }
0x1e: {  	s7 =	smul.u32 @!p0 $0xF7A, s2;
	p2 =	seq.s32 @!p0 s5, $0x0  }
0x1f: {  	s9 =	smul.u32 $0xF7A, s1;
	s8 =	simm.s32 @!p0 $0x1BF5;
	p2 =	por !p2, p0  }
0x20: {  	[sflag:s8] =	ssyncset.s32 @!p0 $0xFFFFF086;
	s6 =	sadd.s32 @!p0 s3, s7;
	s7 =	simm.s32 @!p0 $0x108  }
0x21: {  	s3 =	sadd.s32 s3, s9;
	s6 =	sadd.s32 @!p0 $0x88, s6;
	s7 =	simm.s32 @p2 $0x1082  }
0x22: {  	[simem:s7], [sflag:s8] =	dma.local @!p0 [hbm:s6], $0xF7A  }
0x23: {  	s9 =	sor.u32 $0xD0000000, s2;
	s6 =	simm.s32 $0x108;
	_ =	swait.ge @!p0 [sflag:s8], $0x0  }
0x24: {  	s3 =	sadd.s32 $0x88, s3;
	s6 =	simm.s32 @!p1 $0x1082;
	[sflag:s4] =	ssyncset.s32 $0xFFFFF086  }
0x25: {  	[simem:s6], [sflag:s4] =	dma.local [hbm:s3], $0xF7A  }
0x26: {  	[smem:$0x3F9E] =	sst s1;
	(tag) =	ssettag s2;
	_ =	strace s9  }
0x27: {  	s1 =	sld [smem:$0x3FAE]  }
0x28: {  	s2 =	sld [smem:$0x3FAF]  }
0x29: {  	s4 =	sld [smem:$0x3FB1]  }
0x2a: {  	p0 =	seq.s32 s5, $0x0;
	s5 =	sld [smem:$0x3FB2]  }
0x2b: {  	s6 =	sld [smem:$0x3FB3]  }
0x2c: {  	s7 =	sld [smem:$0x3FB4]  }
0x2d: {  	s3 =	simm.s32 $0x108;
	s8 =	sld [smem:$0x3FB5]  }
0x2e: {  	s3 =	simm.s32 @!p0 $0x1082;
	s9 =	sld [smem:$0x3FB6]  }
0x2f: {  	lr =	sadd.s32 s0, s3;
	s0 =	sld [smem:$0x3FAD]  }
0x30: {  	s3 =	sld [smem:$0x3FB0]  }
0x31: {  	[smem:$0x3FB9] =	sst s10  }
0x32: {  	s10 =	sld [smem:$0x3FB7];
	_ =	sdelay $0x3  }
0x33: {  	p0 =	seq.s32 s10, $0x1;
	s10 =	sld [smem:$0x3FB9];
	_ =	sdelay $0x3  }
0x34: {  	[smem:$0x3FB9] =	sst s10  }
0x35: {  	s10 =	sld [smem:$0x3FB8];
	_ =	sdelay $0x3  }
0x36: {  	p1 =	seq.s32 s10, $0x1;
	s10 =	sld [smem:$0x3FB9];
	_ =	sdelay $0x3  }
0x37: {  	[smem:$0x3FB9] =	sst s10  }
0x38: {  	s10 =	sld [smem:$0x3FBA]  }
0x39: {  	_ = 	snop;
	(pc) =	sbr.ind lr, $3  }
0x3a: {  	_ = 	snop  }
0x3b: {  	_ = 	snop  }
0x3c: {  	p2 =	seq.s32 s10, $0x1;
	s10 =	sld [smem:$0x3FB9]  }
0x3d: {  	_ =	shalt  }
0x3e: {  	_ =	shalt  }
0x3f: {  	_ =	shalt  }
0x40: {  	_ =	shalt  }
0x41: {  	_ =	shalt  }
0x42: {  	_ =	shalt  }
0x43: {  	_ =	shalt  }
0x44: {  	_ =	shalt  }
0x45: {  	_ =	shalt  }
0x46: {  	_ =	shalt  }
0x47: {  	_ =	shalt  }
0x48: {  	_ =	shalt  }
0x49: {  	_ =	shalt  }
0x4a: {  	_ =	shalt  }
0x4b: {  	_ =	shalt  }
0x4c: {  	_ =	shalt  }
0x4d: {  	_ =	shalt  }
0x4e: {  	_ =	shalt  }
0x4f: {  	_ =	shalt  }
0x50: {  	_ =	shalt  }
0x51: {  	_ =	shalt  }
0x52: {  	_ =	shalt  }
0x53: {  	_ =	shalt  }
0x54: {  	_ =	shalt  }
0x55: {  	_ =	shalt  }
0x56: {  	_ =	shalt  }
0x57: {  	_ =	shalt  }
0x58: {  	_ =	shalt  }
0x59: {  	_ =	shalt  }
0x5a: {  	_ =	shalt  }
0x5b: {  	_ =	shalt  }
0x5c: {  	_ =	shalt  }
0x5d: {  	_ =	shalt  }
0x5e: {  	_ =	shalt  }
0x5f: {  	_ =	shalt  }
0x60: {  	_ =	shalt  }
0x61: {  	_ =	shalt  }
0x62: {  	_ =	shalt  }
0x63: {  	_ =	shalt  }
0x64: {  	_ =	shalt  }
0x65: {  	_ =	shalt  }
0x66: {  	_ =	shalt  }
0x67: {  	_ =	shalt  }
0x68: {  	_ =	shalt  }
0x69: {  	_ =	shalt  }
0x6a: {  	_ =	shalt  }
0x6b: {  	_ =	shalt  }
0x6c: {  	_ =	shalt  }
0x6d: {  	_ =	shalt  }
0x6e: {  	_ =	shalt  }
0x6f: {  	_ =	shalt  }
0x70: {  	_ =	shalt  }
0x71: {  	_ =	shalt  }
0x72: {  	_ =	shalt  }
0x73: {  	_ =	shalt  }
0x74: {  	_ =	shalt  }
0x75: {  	_ =	shalt  }
0x76: {  	_ =	shalt  }
0x77: {  	_ =	shalt  }
0x78: {  	_ =	shalt  }
0x79: {  	_ =	shalt  }
0x7a: {  	_ =	shalt  }
0x7b: {  	_ =	shalt  }
0x7c: {  	_ =	shalt  }
0x7d: {  	_ =	shalt  }
0x7e: {  	_ =	shalt  }
0x7f: {  	_ =	shalt  }
0x80: {  	_ =	shalt  }
0x81: {  	_ =	shalt  }
0x82: {  	_ =	shalt  }
0x83: {  	_ =	shalt  }
0x84: {  	_ =	shalt  }
0x85: {  	_ =	shalt  }
0x86: {  	_ =	shalt  }
0x87: {  	_ =	shalt  }
.Lfunc_end0:
.L_simem_size_0:
called_computation_lowered:
.L_overlay_start_0:
0x88: {  	s2 =	sld [smem:$0x3FD9]  }
0x89: {  	s3 =	sld [smem:$0x3FFE];
	_ =	sdelay $0x1  }
0x8a: {  	s1 =	srdreg.scid  }
0x8b: {  	s0 =	sand.u32 $0x1, s1  }
0x8c: {  	s17 =	sshll.u32 s0, $0xA;
	s2 =	sadd.s32 s3, s2  }
0x8d: {  	s2 =	sadd.s32 s2, s17  }
0x8e: {  	[smem:$0x3FC5] =	sst s2  }
0x8f: {  	_ = 	snop  }
0x90: {  	s2 =	sld [smem:$0x3FD0];
	(tm) =	ssettm $0x1  }
0x91: {  	s18 =	sld [smem:$0x3FFB];
	_ =	sdelay $0x3  }
0x92: {  	_ =	strace s18  }
0x93: {  	s3 =	sld [smem:$0x3FFC];
	_ =	sdelay $0x3  }
0x94: {  	_ =	strace s3  }
0x95: {  	s3 =	sld [smem:$0x3FFD];
	_ =	sdelay $0x3  }
0x96: {  	_ =	strace s3  }
0x97: {  	_ =	strace $0x8FFFFFFF  }
0x98: {  	s19 =	sld [smem:$0x3FDB];
	_ =	sdelay $0x1  }
0x99: {  	s4 =	simm.s32 $_scs_section_size  }
0x9a: {  	s5 =	simm.s32 $_size__tile_overlayer_lowered;
	s6 =	simm.s32 $_tile_overlayer_lowered  }
0x9b: {  	s22 =	simm.s32 $0x1BFF;
	s21 =	sshll.u32 s6, $0x1;
	s3 =	sadd.s32 s4, s19  }
0x9c: {  	s7 =	simm.s32 $0x0;
	s20 =	sshll.u32 s5, $0x1;
	s5 =	sadd.s32 s21, s3  }
0x9d: {  	[timem:s7], [sflag:s22] =	dma.local [hbm:s5], s20  }
0x9e: {  	_ =	swait.ge [sflag:s22], s20  }
0x9f: {  	s4 =	ssub.s32 $0x0, s20;
	[sflag:s22] =	ssyncset.done $0x0  }
0xa0: {  	[sflag:s22] =	ssyncadd.s32 s4;
	_ =	sdelay $0x1  }
0xa1: {  	s23 =	simm.s32 $0x1B8B  }
0xa2: {  	_ =	swait.ge [sflag:s23], $0x1  }
0xa3: {  	[sflag:s23] =	ssyncset.done $0x0  }
0xa4: {  	s25 =	simm.s32 $0x1B8E;
	s24 =	sld [smem:$0x3FFE];
	[sflag:s23] =	ssyncadd.s32 $0xFFFFFFFF  }
0xa5: {  	s26 =	simm.s32 $execute0_lowered;
	[smem:$0x3FD2] =	sst s25  }
0xa6: {  	s5 =	sshll.u32 s26, $0x1;
	_ =	strace $0x80000046;
	[dreg:$0x1] =	wrdreg $0xFFFFFFFF  }
0xa7: {  	s28 =	simm.s32 $_size_execute0_lowered;
	s3 =	sadd.s32 s3, s5;
	[dreg:$0x0] =	wrdreg $0x0  }
0xa8: {  	s5 =	sshll.u32 s28, $0x1;
	[dreg:$0x2] =	wrdreg s3  }
0xa9: {  	[dreg:$0x3] =	wrdreg s5  }
0xaa: {  	[dreg:$0x4] =	wrdreg $0xC0  }
0xab: {  	_ =	task [dreg:s7], $0x5FFFF  }
0xac: {  	[dreg:$0x1] =	wrdreg $0xFFFFFFFF  }
0xad: {  	[dreg:$0x0] =	wrdreg $0x60  }
0xae: {  	[dreg:$0x2] =	wrdreg s24  }
0xaf: {  	[dreg:$0x3] =	wrdreg s2  }
0xb0: {  	[dreg:$0x4] =	wrdreg $0x9  }
0xb1: {  	_ =	task.clear_ibuf [dreg:s7], $0x5FFFF;
	_ =	strace $0x90000046  }
0xb2: {  	s29 =	simm.s32 $0x9;
	_ =	strace $0x80000048  }
0xb3: {  	_ =	swait.ge [sflag:s29], $0x1  }
0xb4: {  	[sflag:s29] =	ssyncadd.s32 $0xFFFFFFFF  }
0xb5: {  	_ =	strace $0x90000048  }
0xb6: {  	_ =	sfence  }
0xb7: {  	s30 =	sld [smem:$0x0];
	_ =	sdelay $0x2  }
0xb8: {  	s31 =	sshll.u32 s1, $0xD;
	s1 =	sshrl.u32 s1, $0x2  }
0xb9: {  	s3 =	sand.u32 $0x4000, s31;
	s1 =	sadd.s32 s1, s30  }
0xba: {  	s0 =	sor.u32 s3, s0;
	s1 =	sshll.u32 s1, $0x11  }
0xbb: {  	s0 =	sor.u32 s1, s0  }
0xbc: {  	s0 =	sadd.s32 $0x8F2B, s0  }
0xbd: {  	[sflag:s0] =	ssyncadd.remote.s32 $0x1  }
0xbe: {  	_ =	sfence.sel $0xFFFF  }
0xbf: {  	[dreg:$0x0] =	wrdreg $0xFFFFFFFF;
	(pc) =	sbr.abs _section_cstart, $3  }
0xc0: {  	[dreg:$0x1] =	wrdreg $0xFFFFFFFF  }
0xc1: {  	_ =	task.clear_ibuf [dreg:s7], $0x2FFFF;
	_ =	strace $0x9FFFFFFF  }
0xc2: {  	(tm) =	ssettm $0x7FFFFFFF  }
0xc3: {  	_ =	shalt  }
tec
execute0_lowered:
.L_overlay_start_1:
0x0: {  	(tag) =	ssettag $0x1  }
0x1: {  	s1 =	srdreg.scid  }
0x2: {  	s0 =	stileid.u32;
	s4 =	rddreg [dreg:$0x0]  }
0x3: {  	s2 =	rddreg [dreg:$0x1];
	s3 =	simm.s32 $0x0;
	s16 =	simm.s32 $0x80  }
0x4: {  	s17 =	simm.s32 $0x3900;
	s18 =	simm.s32 $0xC0;
	s19 =	simm.s32 $0x4900  }
0x5: {  	s20 =	simm.s32 $0x1;
	s21 =	simm.s32 $0x2;
	s22 =	simm.s32 $0x3  }
0x6: {  	s23 =	simm.s32 $0x4;
	s24 =	simm.s32 $0x0;
	s12 =	smul.u32 $0xC8000, s0  }
0x7: {  	s9 =	sand.u32 $0x1, s1;
	s1 =	rddreg [dreg:$0x2];
	s14 =	smul.u32 $0x19000, s0  }
0x8: {  	s29 =	sshll.u32 s0, $0x1;
	[smem:$0x7FF] =	sst s3;
	s13 =	smul.u32 $0x64000, s9  }
0x9: {  	s11 =	sadd.s32 $0x6A00, s4;
	s5 =	sor.u32 s9, s29;
	s15 =	smul.u32 $0xC800, s9  }
0xa: {  	_ =	strace $0x80000047;
	s7 =	ssub.s32 $0x2, s9;
	s6 =	smul.u32 $0x320, s5  }
0xb: {  	s5 =	smul.u32 $0x64000, s5;
	s30 =	sshrl.u32 s7, $0x1;
	s31 =	sadd.s32 s14, s11  }
0xc: {  	s14 =	simm.s32 $0x1900;
	s10 =	ssub.s32 s7, s30;
	s12 =	sadd.s32 s13, s12  }
0xd: {  	s13 =	simm.s32 $0x40;
	s6 =	sadd.s32 s6, s4;
	s5 =	sshrl.u32 s5, $0x3  }
0xe: {  	s9 =	smax.u32 s10, $0x1;
	s12 =	sshrl.u32 s12, $0x3;
	s10 =	sadd.s32 s15, s31  }
0xf: {  	s15 =	simm.s32 $0x2900;
	s8 =	sadd.s32 s11, s5;
	s4 =	sadd.s32 $0x600, s6  }
0x10: {  	s11 =	sadd.s32 s12, s11;
	s12 =	simm.s32 $0x5;
	s5 =	sadd.s32 $0xC000, s8  }
0x11: {  	s6 =	sadd.s32 $0xC008, s8;
	s7 =	sadd.s32 $0xC400, s8;
	s8 =	sadd.s32 $0xC408, s8  }
.LBB2_1:
0x12: {  	[tilespmem:s3], [sflag:$0x5] =	stream.linear.gather [hbm4b:s4+s3], $0x1900, $0x38;
	[tilespmem:$0x5900] =	vst v63  }
0x13: {  	_ =	swait.ge [sflag:s12], $0x1900  }
0x14: {  	[sflag:s12] =	ssyncset.done $0x0  }
0x15: {  	[sflag:s12] =	ssyncadd.s32 $0xFFFFE700  }
0x16: {  	[tilespmem:s14], [sflag:$0x1] =	stream.indirect.gather [hbm4b:s2+s13], $0x40, s3, s13, $0xb8;
	[tilespmem:$0x5900] =	vst v63  }
0x17: {  	_ = 	snop  }
0x18: {  	[tilespmem:s15], [sflag:$0x1] =	stream.indirect.gather [hbm4b:s2+s13], $0x40, s13, s13, $0xb8;
	[tilespmem:$0x5900] =	vst v63  }
0x19: {  	_ = 	snop  }
0x1a: {  	[tilespmem:s17], [sflag:$0x2] =	stream.indirect.gather [hbm4b:s2+s13], $0x40, s16, s13, $0xb8;
	[tilespmem:$0x5900] =	vst v63  }
0x1b: {  	_ = 	snop  }
0x1c: {  	[tilespmem:s19], [sflag:$0x2] =	stream.indirect.gather [hbm4b:s2+s13], $0x40, s18, s13, $0xb8;
	[tilespmem:$0x5900] =	vst v63  }
0x1d: {  	_ =	swait.ge [sflag:s20], $0x1000  }
0x1e: {  	[sflag:s20] =	ssyncset.done $0x0  }
0x1f: {  	[sflag:s20] =	ssyncadd.s32 $0xFFFFF000  }
0x20: {  	_ =	swait.ge [sflag:s20], $0x1000  }
0x21: {  	[sflag:s20] =	ssyncset.done $0x0  }
0x22: {  	s25 =	sadd.s32 $0x0, s11;
	[sflag:s20] =	ssyncadd.s32 $0xFFFFF000  }
0x23: {  	[hbm4b:s25+s13] =	stream.strided.scatter [tilespmem:s14], [sflag:$0x3], $0x1000, s16, s13, $0x38;
	[tilespmem:$0x5900] =	vst v63  }
0x24: {  	s25 =	sadd.s32 $0x8, s25  }
0x25: {  	[hbm4b:s25+s13] =	stream.strided.scatter [tilespmem:s15], [sflag:$0x3], $0x1000, s16, s13, $0x38;
	[tilespmem:$0x5900] =	vst v63  }
0x26: {  	_ =	swait.ge [sflag:s21], $0x1000  }
0x27: {  	[sflag:s21] =	ssyncset.done $0x0  }
0x28: {  	[sflag:s21] =	ssyncadd.s32 $0xFFFFF000  }
0x29: {  	_ =	swait.ge [sflag:s21], $0x1000  }
0x2a: {  	s31 =	sadd.s32 $0x0, s10;
	[sflag:s21] =	ssyncset.done $0x0  }
0x2b: {  	s26 =	sadd.s32 $0x400, s31;
	[sflag:s21] =	ssyncadd.s32 $0xFFFFF000  }
0x2c: {  	[hbm4b:s26+s13] =	stream.strided.scatter [tilespmem:s17], [sflag:$0x4], $0x1000, s16, s13, $0x38;
	[tilespmem:$0x5900] =	vst v63  }
0x2d: {  	s25 =	sadd.s32 $0x408, s31  }
0x2e: {  	[hbm4b:s25+s13] =	stream.strided.scatter [tilespmem:s19], [sflag:$0x4], $0x1000, s16, s13, $0x38;
	[tilespmem:$0x5900] =	vst v63  }
0x2f: {  	_ =	swait.ge [sflag:s22], $0x1000  }
0x30: {  	[sflag:s22] =	ssyncset.done $0x0  }
0x31: {  	[sflag:s22] =	ssyncadd.s32 $0xFFFFF000  }
0x32: {  	_ =	swait.ge [sflag:s22], $0x1000  }
0x33: {  	[sflag:s22] =	ssyncset.done $0x0  }
0x34: {  	s29 =	simm.s32 $0x100;
	[sflag:s22] =	ssyncadd.s32 $0xFFFFF000  }
0x35: {  	[tilespmem:s14], [sflag:$0x1] =	stream.indirect.gather [hbm4b:s2+s13], $0x40, s29, s13, $0xb8;
	[tilespmem:$0x5900] =	vst v63  }
0x36: {  	s30 =	simm.s32 $0x140  }
0x37: {  	[tilespmem:s15], [sflag:$0x1] =	stream.indirect.gather [hbm4b:s2+s13], $0x40, s30, s13, $0xb8;
	[tilespmem:$0x5900] =	vst v63  }
0x38: {  	_ =	swait.ge [sflag:s23], $0x1000  }
0x39: {  	[sflag:s23] =	ssyncset.done $0x0  }
0x3a: {  	[sflag:s23] =	ssyncadd.s32 $0xFFFFF000  }
0x3b: {  	_ =	swait.ge [sflag:s23], $0x1000  }
0x3c: {  	s28 =	simm.s32 $0x1C0;
	s31 =	simm.s32 $0x180;
	[sflag:s23] =	ssyncset.done $0x0  }
0x3d: {  	s26 =	simm.s32 $0x200;
	s25 =	simm.s32 $0x800;
	[sflag:s23] =	ssyncadd.s32 $0xFFFFF000  }
0x3e: {  	[tilespmem:s17], [sflag:$0x2] =	stream.indirect.gather [hbm4b:s2+s13], $0x40, s31, s13, $0xb8;
	[tilespmem:$0x5900] =	vst v63  }
.LBB2_2:
0x3f: {  	[tilespmem:s19], [sflag:$0x2] =	stream.indirect.gather [hbm4b:s2+s13], $0x40, s28, s13, $0xb8;
	[tilespmem:$0x5900] =	vst v63  }
0x40: {  	s28 =	smov.u32 s25  }
0x41: {  	p0 =	sne.s32 s25, $0xB800;
	s25 =	sadd.s32 $0x800, s25;
	_ =	swait.ge [sflag:s20], $0x1000  }
0x42: {  	[sflag:s20] =	ssyncset.done $0x0  }
0x43: {  	[sflag:s20] =	ssyncadd.s32 $0xFFFFF000  }
0x44: {  	_ =	swait.ge [sflag:s20], $0x1000  }
0x45: {  	[sflag:s20] =	ssyncset.done $0x0  }
0x46: {  	s29 =	sadd.s32 s28, s11;
	[sflag:s20] =	ssyncadd.s32 $0xFFFFF000  }
0x47: {  	[hbm4b:s29+s13] =	stream.strided.scatter [tilespmem:s14], [sflag:$0x3], $0x1000, s16, s13, $0x38;
	[tilespmem:$0x5900] =	vst v63  }
0x48: {  	s29 =	sadd.s32 $0x8, s29  }
0x49: {  	[hbm4b:s29+s13] =	stream.strided.scatter [tilespmem:s15], [sflag:$0x3], $0x1000, s16, s13, $0x38;
	[tilespmem:$0x5900] =	vst v63  }
0x4a: {  	_ =	swait.ge [sflag:s21], $0x1000  }
0x4b: {  	[sflag:s21] =	ssyncset.done $0x0  }
0x4c: {  	[sflag:s21] =	ssyncadd.s32 $0xFFFFF000  }
0x4d: {  	_ =	swait.ge [sflag:s21], $0x1000  }
0x4e: {  	s28 =	sadd.s32 s28, s10;
	[sflag:s21] =	ssyncset.done $0x0  }
0x4f: {  	s29 =	sadd.s32 $0x400, s28;
	[sflag:s21] =	ssyncadd.s32 $0xFFFFF000  }
0x50: {  	[hbm4b:s29+s13] =	stream.strided.scatter [tilespmem:s17], [sflag:$0x4], $0x1000, s16, s13, $0x38;
	[tilespmem:$0x5900] =	vst v63  }
0x51: {  	s28 =	sadd.s32 $0x408, s28  }
0x52: {  	[hbm4b:s28+s13] =	stream.strided.scatter [tilespmem:s19], [sflag:$0x4], $0x1000, s16, s13, $0x38;
	[tilespmem:$0x5900] =	vst v63  }
0x53: {  	_ =	swait.ge [sflag:s22], $0x1000  }
0x54: {  	[sflag:s22] =	ssyncset.done $0x0  }
0x55: {  	[sflag:s22] =	ssyncadd.s32 $0xFFFFF000  }
0x56: {  	_ =	swait.ge [sflag:s22], $0x1000  }
0x57: {  	[sflag:s22] =	ssyncset.done $0x0  }
0x58: {  	[sflag:s22] =	ssyncadd.s32 $0xFFFFF000  }
0x59: {  	[tilespmem:s14], [sflag:$0x1] =	stream.indirect.gather [hbm4b:s2+s13], $0x40, s26, s13, $0xb8;
	[tilespmem:$0x5900] =	vst v63  }
0x5a: {  	s28 =	sadd.s32 $0x40, s26  }
0x5b: {  	[tilespmem:s15], [sflag:$0x1] =	stream.indirect.gather [hbm4b:s2+s13], $0x40, s28, s13, $0xb8;
	[tilespmem:$0x5900] =	vst v63  }
0x5c: {  	_ =	swait.ge [sflag:s23], $0x1000  }
0x5d: {  	[sflag:s23] =	ssyncset.done $0x0  }
0x5e: {  	[sflag:s23] =	ssyncadd.s32 $0xFFFFF000  }
.Ltmp0:
0x5f: {  	_ =	swait.ge [sflag:s23], $0x1000;
	(pc) =	sbr.rel @p0 .LBB2_2-.Ltmp0, $4  }
0x60: {  	[sflag:s23] =	ssyncset.done $0x0  }
0x61: {  	s28 =	sadd.s32 $0x80, s26;
	[sflag:s23] =	ssyncadd.s32 $0xFFFFF000  }
0x62: {  	[tilespmem:s17], [sflag:$0x2] =	stream.indirect.gather [hbm4b:s2+s13], $0x40, s28, s13, $0xb8;
	[tilespmem:$0x5900] =	vst v63  }
0x63: {  	s28 =	sadd.s32 $0xC0, s26;
	s26 =	sadd.s32 $0x100, s26  }
0x64: {  	[tilespmem:s19], [sflag:$0x2] =	stream.indirect.gather [hbm4b:s2+s13], $0x40, s28, s13, $0xb8;
	[tilespmem:$0x5900] =	vst v63  }
0x65: {  	_ =	swait.ge [sflag:s20], $0x1000  }
0x66: {  	[sflag:s20] =	ssyncset.done $0x0  }
0x67: {  	[sflag:s20] =	ssyncadd.s32 $0xFFFFF000  }
0x68: {  	_ =	swait.ge [sflag:s20], $0x1000  }
0x69: {  	[sflag:s20] =	ssyncset.done $0x0  }
0x6a: {  	[sflag:s20] =	ssyncadd.s32 $0xFFFFF000  }
0x6b: {  	[hbm4b:s5+s13] =	stream.strided.scatter [tilespmem:s14], [sflag:$0x3], $0x1000, s16, s13, $0x38;
	[tilespmem:$0x5900] =	vst v63  }
0x6c: {  	_ = 	snop  }
0x6d: {  	[hbm4b:s6+s13] =	stream.strided.scatter [tilespmem:s15], [sflag:$0x3], $0x1000, s16, s13, $0x38;
	[tilespmem:$0x5900] =	vst v63  }
0x6e: {  	_ =	swait.ge [sflag:s21], $0x1000  }
0x6f: {  	[sflag:s21] =	ssyncset.done $0x0  }
0x70: {  	[sflag:s21] =	ssyncadd.s32 $0xFFFFF000  }
0x71: {  	_ =	swait.ge [sflag:s21], $0x1000  }
0x72: {  	[sflag:s21] =	ssyncset.done $0x0  }
0x73: {  	[sflag:s21] =	ssyncadd.s32 $0xFFFFF000  }
0x74: {  	[hbm4b:s7+s13] =	stream.strided.scatter [tilespmem:s17], [sflag:$0x4], $0x1000, s16, s13, $0x38;
	[tilespmem:$0x5900] =	vst v63  }
0x75: {  	_ = 	snop  }
0x76: {  	[hbm4b:s8+s13] =	stream.strided.scatter [tilespmem:s19], [sflag:$0x4], $0x1000, s16, s13, $0x38;
	[tilespmem:$0x5900] =	vst v63  }
0x77: {  	_ =	swait.ge [sflag:s22], $0x1000  }
0x78: {  	[sflag:s22] =	ssyncset.done $0x0  }
0x79: {  	[sflag:s22] =	ssyncadd.s32 $0xFFFFF000  }
0x7a: {  	_ =	swait.ge [sflag:s22], $0x1000  }
0x7b: {  	[sflag:s22] =	ssyncset.done $0x0  }
0x7c: {  	s24 =	sadd.s32 $0x1, s24;
	[sflag:s22] =	ssyncadd.s32 $0xFFFFF000  }
0x7d: {  	p0 =	sne.s32 s24, s9;
	_ =	swait.ge [sflag:s23], $0x1000  }
.Ltmp1:
0x7e: {  	[sflag:s23] =	ssyncset.done $0x0;
	(pc) =	sbr.rel @p0 .LBB2_1-.Ltmp1, $4  }
0x7f: {  	[sflag:s23] =	ssyncadd.s32 $0xFFFFF000  }
0x80: {  	_ =	swait.ge [sflag:s23], $0x1000  }
0x81: {  	[sflag:s23] =	ssyncset.done $0x0  }
0x82: {  	[sflag:s23] =	ssyncadd.s32 $0xFFFFF000  }
0x83: {  	_ =	sfence.sel $0x180000  }
0x84: {  	[bflag:$0x0] =	sbarrier.arrive $0xFFFF  }
0x85: {  	p0 =	sne.s32 s0, $0x0;
	_ =	strace $0x90000047  }
0x86: {  	s0 =	sadd.s32 @!p0 $0x100000, s1;
	[bflag:$0x2] =	sbarrier.arrive $0xFFFF  }
0x87: {  	[sflag:s0] =	ssyncadd.tile.s32 @!p0 $0x1;
	_ =	shalt  }
.Lfunc_end2:
_tile_overlayer_lowered:
.L_overlay_start_2:
0x88: {  	(tag) =	ssettag $0x2  }
0x89: {  	s0 =	rddreg [dreg:$0x0];
	s2 =	stileid.u32  }
0x8a: {  	s1 =	rddreg [dreg:$0x1];
	p0 =	sne.s32 s2, $0x0  }
0x8b: {  	s3 =	rddreg [dreg:$0x2];
	[bflag:$0x3] =	sbarrier.arrive $0xFFFF;
	s2 =	simm.s32 @!p0 $0x1C05  }
0x8c: {  	[timem:s3], [sflag:s2] =	dma.local @!p0 [hbm:s0], s1  }
0x8d: {  	s0 =	simm.s32 @!p0 $0x5  }
0x8e: {  	_ =	swait.ge @!p0 [sflag:s0], s1  }
0x8f: {  	s1 =	ssub.s32 @!p0 $0x0, s1;
	[sflag:s0] =	ssyncset.done @!p0 $0x0  }
0x90: {  	[sflag:s0] =	ssyncadd.s32 @!p0 s1  }
0x91: {  	[bflag:$0x3] =	sbarrier.arrive $0xFFFF  }
0x92: {  	_ =	shalt  }

</sc_bundles>
